<compile_context>
chip_gen: v7x
topology: tpu7x:2x2x1
jax: 0.10.2.dev20260603
libtpu: 0.0.44.dev20260713+nightly
codegen_flags: <defaults>
</compile_context>

<pallas_src>
import functools

import jax
import jax.numpy as jnp
from jax import lax
from jax.experimental import pallas as pl
from jax.experimental.pallas import tpu as pltpu
from jax.experimental.pallas import tpu_sc as plsc

NC, NS, L = 2, 16, 16
NW = NC * NS
NPAIRS = 160000
PAD = 163840
PER_W = PAD // NW
C = 80
NCHUNK = PER_W // C
D = 256
V = 10000
MARGIN = 0.5


def _norm_body(h_ref, o_ref, hn_ref, on_ref):
    for src, dst in ((h_ref, hn_ref), (o_ref, on_ref)):
        x = src[...]
        n = jnp.sqrt(jnp.sum(x * x, axis=-1, keepdims=True))
        dst[...] = x / jnp.maximum(n, 1e-12)


_normalize_tables = pl.pallas_call(
    _norm_body,
    grid=(10,),
    in_specs=[pl.BlockSpec((V // 10, D), lambda i: (i, 0))] * 2,
    out_specs=[pl.BlockSpec((V // 10, D), lambda i: (i, 0))] * 2,
    out_shape=[jax.ShapeDtypeStruct((V, D), jnp.float32)] * 2,
)

_mesh = plsc.VectorSubcoreMesh(
    core_axis_name="c", subcore_axis_name="s", num_cores=NC, num_subcores=NS
)


@functools.partial(
    pl.kernel,
    out_type=jax.ShapeDtypeStruct((NW, L), jnp.float32),
    mesh=_mesh,
    compiler_params=pltpu.CompilerParams(
        use_tc_tiling_on_sc=False, needs_layout_passes=False),
    scratch_types=[
        pltpu.VMEM((PER_W,), jnp.int32),
        pltpu.VMEM((PER_W,), jnp.int32),
        pltpu.VMEM((PER_W + L,), jnp.float32),
        pltpu.VMEM((C, D), jnp.float32),
        pltpu.VMEM((C, D), jnp.float32),
        pltpu.VMEM((C, D), jnp.float32),
        pltpu.VMEM((C, D), jnp.float32),
        pltpu.VMEM((L,), jnp.float32),
        pltpu.SemaphoreType.DMA,
        pltpu.SemaphoreType.DMA,
        pltpu.SemaphoreType.DMA,
        pltpu.SemaphoreType.DMA,
    ],
)
def _sc_loss(hn_hbm, on_hbm, ia_hbm, ib_hbm, cf_hbm, out_hbm,
             ia_v, ib_v, cf_v, h_v0, h_v1, o_v0, o_v1, stage_v,
             sem_a0, sem_a1, sem_b0, sem_b1):
    wid = lax.axis_index("s") * NC + lax.axis_index("c")
    base_w = wid * PER_W

    pltpu.sync_copy(ia_hbm.at[pl.ds(base_w, PER_W)], ia_v)
    pltpu.sync_copy(ib_hbm.at[pl.ds(base_w, PER_W)], ib_v)
    pltpu.sync_copy(cf_hbm.at[pl.ds(base_w, PER_W)], cf_v.at[pl.ds(0, PER_W)])

    bufs = ((h_v0, o_v0, sem_a0, sem_b0), (h_v1, o_v1, sem_a1, sem_b1))

    def start_pair(off, b):
        hb, ob, sa, sb = bufs[b]
        pltpu.async_copy(hn_hbm.at[ia_v.at[pl.ds(off, C)]], hb, sa)
        pltpu.async_copy(on_hbm.at[ib_v.at[pl.ds(off, C)]], ob, sb)

    def wait_pair(b):
        hb, ob, sa, sb = bufs[b]
        pltpu.make_async_copy(hn_hbm.at[ia_v.at[pl.ds(0, C)]], hb, sa).wait()
        pltpu.make_async_copy(on_hbm.at[ib_v.at[pl.ds(0, C)]], ob, sb).wait()

    def compute_chunk(off, b, acc):
        hb, ob, _, _ = bufs[b]

        def pair_body(p, a):
            prods = [hb[p, pl.ds(j * L, L)] * ob[p, pl.ds(j * L, L)]
                     for j in range(D // L)]
            while len(prods) > 1:
                prods = [prods[k] + prods[k + 1]
                         for k in range(0, len(prods) - 1, 2)] + (
                             [prods[-1]] if len(prods) % 2 else [])
            s = jnp.sum(prods[0])
            cv = cf_v[pl.ds(off + p, L)]
            lv = jnp.maximum(MARGIN - s, 0.0) * cv[0]
            return a + jnp.full((L,), lv, jnp.float32)

        return lax.fori_loop(0, C, pair_body, acc)

    start_pair(0, 0)

    def outer_body(i2, acc):
        for b in range(2):
            chunk = 2 * i2 + b
            wait_pair(b)

            @pl.when(chunk + 1 < NCHUNK)
            def _():
                start_pair((chunk + 1) * C, 1 - b)

            acc = compute_chunk(chunk * C, b, acc)
        return acc

    loss = lax.fori_loop(0, NCHUNK // 2, outer_body,
                         jnp.zeros((L,), jnp.float32))

    stage_v[...] = loss
    pltpu.sync_copy(stage_v, out_hbm.at[wid])


def _fin_body(p_ref, c_ref):
    c_ref[...] = jnp.full(
        (1, 1), jnp.sum(p_ref[...]) * (1.0 / (NPAIRS * L)), jnp.float32)


_finalize = pl.pallas_call(
    _fin_body,
    out_shape=jax.ShapeDtypeStruct((1, 1), jnp.float32),
)


def kernel(human_gene_embeddings, ortholog_embeddings, ortholog_pairs,
           confidence_scores):
    hn, on = _normalize_tables(human_gene_embeddings, ortholog_embeddings)
    npad = PAD - NPAIRS
    ia = jnp.concatenate(
        [ortholog_pairs[:, 0], jnp.zeros((npad,), jnp.int32)])
    ib = jnp.concatenate(
        [ortholog_pairs[:, 1], jnp.zeros((npad,), jnp.int32)])
    cf = jnp.concatenate(
        [confidence_scores, jnp.zeros((npad,), jnp.float32)])
    parts = _sc_loss(hn, on, ia, ib, cf)
    return _finalize(parts)[0, 0]

# --- scband reference (transcript-rebuilt; emitter-appended) ---
"""Pipeline reference for scband-ortholog-consistency-loss-3676492006072 (READ-ONLY COPY).

The authoritative reference and input builder live on the scoring server;
editing this copy changes nothing except your own understanding.
"""

import jax, jax.numpy as jnp
import numpy as np


def _normalize(x, eps=1e-12):
    n = jnp.linalg.norm(x, ord=2, axis=-1, keepdims=True)
    return x / jnp.maximum(n, eps)


def setup_inputs(seed: int = 0) -> dict:
    key = jax.random.key(seed)
    k1, k2, k3, k4 = jax.random.split(key, 4)
    human_gene_embeddings = jax.random.normal(k1, (10000, 256), dtype=jnp.float32)
    ortholog_embeddings = jax.random.normal(k2, (10000, 256), dtype=jnp.float32)
    ortholog_pairs = jax.random.randint(k3, (160000, 2), 0, 10000, dtype=jnp.int64 if jax.config.jax_enable_x64 else jnp.int32).astype(jnp.int32)
    confidence_scores = jax.random.uniform(k4, (160000,), dtype=jnp.float32)
    return {
        "human_gene_embeddings": human_gene_embeddings,
        "ortholog_embeddings": ortholog_embeddings,
        "ortholog_pairs": ortholog_pairs,
        "confidence_scores": confidence_scores,
    }


def reference(human_gene_embeddings, ortholog_embeddings, ortholog_pairs, confidence_scores):
    margin = 0.5
    human_emb = jnp.take(human_gene_embeddings, ortholog_pairs[:, 0], axis=0)
    ortholog_emb = jnp.take(ortholog_embeddings, ortholog_pairs[:, 1], axis=0)
    human_norm = _normalize(human_emb)
    ortholog_norm = _normalize(ortholog_emb)
    similarity = (human_norm * ortholog_norm).sum(axis=-1)
    loss = jax.nn.relu(margin - similarity)
    loss = loss * confidence_scores
    return loss.mean()

if __name__ == "__main__":
    import jax
    _d = setup_inputs()
    print(jax.jit(kernel)(*tuple(_d.values())))

</pallas_src>

<mosaic_0001>
#map = affine_map<(d0, d1) -> (0, 0)>
#map1 = affine_map<(d0, d1) -> (0)>
module attributes {stable_mosaic.version = 14 : i64} {
  func.func @_sc_loss(%arg0: i32, %arg1: i32, %arg2: memref<10000x256xf32, #tpu.memory_space<hbm>>, %arg3: memref<10000x256xf32, #tpu.memory_space<hbm>>, %arg4: memref<163840xi32, #tpu.memory_space<hbm>>, %arg5: memref<163840xi32, #tpu.memory_space<hbm>>, %arg6: memref<163840xf32, #tpu.memory_space<hbm>>, %arg7: memref<32x16xf32, #tpu.memory_space<hbm>>, %arg8: memref<5120xi32, #tpu.memory_space<vmem>>, %arg9: memref<5120xi32, #tpu.memory_space<vmem>>, %arg10: memref<5136xf32, #tpu.memory_space<vmem>>, %arg11: memref<80x256xf32, #tpu.memory_space<vmem>>, %arg12: memref<80x256xf32, #tpu.memory_space<vmem>>, %arg13: memref<80x256xf32, #tpu.memory_space<vmem>>, %arg14: memref<80x256xf32, #tpu.memory_space<vmem>>, %arg15: memref<16xf32, #tpu.memory_space<vmem>>, %arg16: memref<!tpu.dma_semaphore, #tpu.memory_space<semaphore_mem>>, %arg17: memref<!tpu.dma_semaphore, #tpu.memory_space<semaphore_mem>>, %arg18: memref<!tpu.dma_semaphore, #tpu.memory_space<semaphore_mem>>, %arg19: memref<!tpu.dma_semaphore, #tpu.memory_space<semaphore_mem>>) attributes {dimension_semantics = [#tpu.dimension_semantics<core_parallel>, #tpu.dimension_semantics<subcore_parallel>], iteration_bounds = array<i64: 2, 16>, scalar_prefetch = 0 : i64, scratch_operands = 12 : i64, tpu.core_type = #tpu.core_type<sc_vector_subcore>, window_params = [{transform_indices = #map}, {transform_indices = #map}, {transform_indices = #map1}, {transform_indices = #map1}, {transform_indices = #map1}, {transform_indices = #map}]} {
    %mul3A = arith.constant 2 : i32
    %mul3A_0 = arith.muli %arg1, %mul3A : i32
    %add3A = arith.addi %mul3A_0, %arg0 : i32
    %mul3A_1 = arith.constant 5120 : i32
    %mul3A_2 = arith.muli %add3A, %mul3A_1 : i32
    "tpu.region"() ({
      %run_scoped3A = tpu.sem_alloc : memref<!tpu.dma_semaphore, #tpu.memory_space<semaphore_mem>>
      %dma_start3A_19 = tpu.memref_slice %arg4[%mul3A_2] : memref<163840xi32, #tpu.memory_space<hbm>> -> memref<5120xi32, #tpu.memory_space<hbm>>
      %dma_start3A_20 = tpu.memref_slice %arg4[%mul3A_2] : memref<163840xi32, #tpu.memory_space<hbm>> -> memref<5120xi32, #tpu.memory_space<hbm>>
      tpu.enqueue_dma source(%dma_start3A_20 : memref<5120xi32, #tpu.memory_space<hbm>>) target(%arg8 : memref<5120xi32, #tpu.memory_space<vmem>>) target_semaphore(%run_scoped3A : memref<!tpu.dma_semaphore, #tpu.memory_space<semaphore_mem>>)
      %dma_wait3A = tpu.memref_slice %arg4[%mul3A_2] : memref<163840xi32, #tpu.memory_space<hbm>> -> memref<5120xi32, #tpu.memory_space<hbm>>
      %dma_wait3A_21 = tpu.memref_slice %arg4[%mul3A_2] : memref<163840xi32, #tpu.memory_space<hbm>> -> memref<5120xi32, #tpu.memory_space<hbm>>
      tpu.wait_dma2 semaphore(%run_scoped3A : memref<!tpu.dma_semaphore, #tpu.memory_space<semaphore_mem>>) src(%dma_wait3A_21 : memref<5120xi32, #tpu.memory_space<hbm>>) dst(%arg8 : memref<5120xi32, #tpu.memory_space<vmem>>)
      tpu.yield
    }) : () -> ()
    "tpu.region"() ({
      %run_scoped3A = tpu.sem_alloc : memref<!tpu.dma_semaphore, #tpu.memory_space<semaphore_mem>>
      %dma_start3A_19 = tpu.memref_slice %arg5[%mul3A_2] : memref<163840xi32, #tpu.memory_space<hbm>> -> memref<5120xi32, #tpu.memory_space<hbm>>
      %dma_start3A_20 = tpu.memref_slice %arg5[%mul3A_2] : memref<163840xi32, #tpu.memory_space<hbm>> -> memref<5120xi32, #tpu.memory_space<hbm>>
      tpu.enqueue_dma source(%dma_start3A_20 : memref<5120xi32, #tpu.memory_space<hbm>>) target(%arg9 : memref<5120xi32, #tpu.memory_space<vmem>>) target_semaphore(%run_scoped3A : memref<!tpu.dma_semaphore, #tpu.memory_space<semaphore_mem>>)
      %dma_wait3A = tpu.memref_slice %arg5[%mul3A_2] : memref<163840xi32, #tpu.memory_space<hbm>> -> memref<5120xi32, #tpu.memory_space<hbm>>
      %dma_wait3A_21 = tpu.memref_slice %arg5[%mul3A_2] : memref<163840xi32, #tpu.memory_space<hbm>> -> memref<5120xi32, #tpu.memory_space<hbm>>
      tpu.wait_dma2 semaphore(%run_scoped3A : memref<!tpu.dma_semaphore, #tpu.memory_space<semaphore_mem>>) src(%dma_wait3A_21 : memref<5120xi32, #tpu.memory_space<hbm>>) dst(%arg9 : memref<5120xi32, #tpu.memory_space<vmem>>)
      tpu.yield
    }) : () -> ()
    "tpu.region"() ({
      %run_scoped3A = tpu.sem_alloc : memref<!tpu.dma_semaphore, #tpu.memory_space<semaphore_mem>>
      %dma_start3A_19 = arith.constant 0 : i32
      %dma_start3A_20 = tpu.memref_slice %arg10[%dma_start3A_19] : memref<5136xf32, #tpu.memory_space<vmem>> -> memref<5120xf32, #tpu.memory_space<vmem>>
      %dma_start3A_21 = tpu.memref_slice %arg6[%mul3A_2] : memref<163840xf32, #tpu.memory_space<hbm>> -> memref<5120xf32, #tpu.memory_space<hbm>>
      %dma_start3A_22 = arith.constant 0 : i32
      %dma_start3A_23 = tpu.memref_slice %arg10[%dma_start3A_22] : memref<5136xf32, #tpu.memory_space<vmem>> -> memref<5120xf32, #tpu.memory_space<vmem>>
      %dma_start3A_24 = tpu.memref_slice %arg6[%mul3A_2] : memref<163840xf32, #tpu.memory_space<hbm>> -> memref<5120xf32, #tpu.memory_space<hbm>>
      tpu.enqueue_dma source(%dma_start3A_24 : memref<5120xf32, #tpu.memory_space<hbm>>) target(%dma_start3A_23 : memref<5120xf32, #tpu.memory_space<vmem>>) target_semaphore(%run_scoped3A : memref<!tpu.dma_semaphore, #tpu.memory_space<semaphore_mem>>)
      %dma_wait3A = arith.constant 0 : i32
      %dma_wait3A_25 = tpu.memref_slice %arg10[%dma_wait3A] : memref<5136xf32, #tpu.memory_space<vmem>> -> memref<5120xf32, #tpu.memory_space<vmem>>
      %dma_wait3A_26 = tpu.memref_slice %arg6[%mul3A_2] : memref<163840xf32, #tpu.memory_space<hbm>> -> memref<5120xf32, #tpu.memory_space<hbm>>
      %dma_wait3A_27 = arith.constant 0 : i32
      %dma_wait3A_28 = tpu.memref_slice %arg10[%dma_wait3A_27] : memref<5136xf32, #tpu.memory_space<vmem>> -> memref<5120xf32, #tpu.memory_space<vmem>>
      %dma_wait3A_29 = tpu.memref_slice %arg6[%mul3A_2] : memref<163840xf32, #tpu.memory_space<hbm>> -> memref<5120xf32, #tpu.memory_space<hbm>>
      tpu.wait_dma2 semaphore(%run_scoped3A : memref<!tpu.dma_semaphore, #tpu.memory_space<semaphore_mem>>) src(%dma_wait3A_29 : memref<5120xf32, #tpu.memory_space<hbm>>) dst(%dma_wait3A_28 : memref<5120xf32, #tpu.memory_space<vmem>>)
      tpu.yield
    }) : () -> ()
    %dma_start3A = arith.constant 0 : i32
    %dma_start3A_3 = tpu.memref_slice %arg8[%dma_start3A] : memref<5120xi32, #tpu.memory_space<vmem>> -> memref<80xi32, #tpu.memory_space<vmem>>
    %dma_start3A_4 = arith.constant 0 : i32
    %dma_start3A_5 = arith.constant 0 : i32
    %dma_start3A_6 = tpu.memref_slice %arg2[%dma_start3A_4, %dma_start3A_5] : memref<10000x256xf32, #tpu.memory_space<hbm>> -> memref<10000x256xf32, #tpu.memory_space<hbm>>
    tpu.enqueue_indirect_dma source(%dma_start3A_6 : memref<10000x256xf32, #tpu.memory_space<hbm>>) target(%arg11 : memref<80x256xf32, #tpu.memory_space<vmem>>) offsets(%dma_start3A_3 : memref<80xi32, #tpu.memory_space<vmem>>) semaphore(%arg16 : memref<!tpu.dma_semaphore, #tpu.memory_space<semaphore_mem>>)
    %dma_start3A_7 = arith.constant 0 : i32
    %dma_start3A_8 = tpu.memref_slice %arg9[%dma_start3A_7] : memref<5120xi32, #tpu.memory_space<vmem>> -> memref<80xi32, #tpu.memory_space<vmem>>
    %dma_start3A_9 = arith.constant 0 : i32
    %dma_start3A_10 = arith.constant 0 : i32
    %dma_start3A_11 = tpu.memref_slice %arg3[%dma_start3A_9, %dma_start3A_10] : memref<10000x256xf32, #tpu.memory_space<hbm>> -> memref<10000x256xf32, #tpu.memory_space<hbm>>
    tpu.enqueue_indirect_dma source(%dma_start3A_11 : memref<10000x256xf32, #tpu.memory_space<hbm>>) target(%arg13 : memref<80x256xf32, #tpu.memory_space<vmem>>) offsets(%dma_start3A_8 : memref<80xi32, #tpu.memory_space<vmem>>) semaphore(%arg18 : memref<!tpu.dma_semaphore, #tpu.memory_space<semaphore_mem>>)
    %broadcast_in_dim3A = arith.constant 0.000000e+00 : f32
    %broadcast_in_dim3A_12 = vector.broadcast %broadcast_in_dim3A : f32 to vector<16xf32>
    %scan3A = arith.constant 0 : i32
    %scan3A_13 = arith.constant 32 : i32
    %scan3A_14 = arith.addi %scan3A, %scan3A_13 : i32
    %scan3A_15 = arith.constant 1 : i32
    %scan3A_16 = scf.for %scan3A_19 = %scan3A to %scan3A_14 step %scan3A_15 iter_args(%scan3A_20 = %broadcast_in_dim3A_12) -> (vector<16xf32>)  : i32 {
      %mul3A_21 = arith.constant 2 : i32
      %mul3A_22 = arith.muli %mul3A_21, %scan3A_19 : i32
      %add3A_23 = arith.constant 0 : i32
      %add3A_24 = arith.addi %mul3A_22, %add3A_23 : i32
      %dma_wait3A = arith.constant 0 : i32
      %dma_wait3A_25 = tpu.memref_slice %arg8[%dma_wait3A] : memref<5120xi32, #tpu.memory_space<vmem>> -> memref<80xi32, #tpu.memory_space<vmem>>
      %dma_wait3A_26 = arith.constant 0 : i32
      %dma_wait3A_27 = arith.constant 0 : i32
      %dma_wait3A_28 = tpu.memref_slice %arg2[%dma_wait3A_26, %dma_wait3A_27] : memref<10000x256xf32, #tpu.memory_space<hbm>> -> memref<10000x256xf32, #tpu.memory_space<hbm>>
      tpu.wait_indirect_dma semaphore(%arg16 : memref<!tpu.dma_semaphore, #tpu.memory_space<semaphore_mem>>) src(%dma_wait3A_28 : memref<10000x256xf32, #tpu.memory_space<hbm>>) dst(%arg11 : memref<80x256xf32, #tpu.memory_space<vmem>>)
      %dma_wait3A_29 = arith.constant 0 : i32
      %dma_wait3A_30 = tpu.memref_slice %arg9[%dma_wait3A_29] : memref<5120xi32, #tpu.memory_space<vmem>> -> memref<80xi32, #tpu.memory_space<vmem>>
      %dma_wait3A_31 = arith.constant 0 : i32
      %dma_wait3A_32 = arith.constant 0 : i32
      %dma_wait3A_33 = tpu.memref_slice %arg3[%dma_wait3A_31, %dma_wait3A_32] : memref<10000x256xf32, #tpu.memory_space<hbm>> -> memref<10000x256xf32, #tpu.memory_space<hbm>>
      tpu.wait_indirect_dma semaphore(%arg18 : memref<!tpu.dma_semaphore, #tpu.memory_space<semaphore_mem>>) src(%dma_wait3A_33 : memref<10000x256xf32, #tpu.memory_space<hbm>>) dst(%arg13 : memref<80x256xf32, #tpu.memory_space<vmem>>)
      %add3A_34 = arith.constant 1 : i32
      %add3A_35 = arith.addi %add3A_24, %add3A_34 : i32
      %lt3A = arith.constant 64 : i32
      %lt3A_36 = arith.cmpi slt, %add3A_35, %lt3A : i32
      %convert_element_type3A = arith.extui %lt3A_36 : i1 to i32
      %cond3A = arith.constant 0 : i32
      %cond3A_37 = arith.cmpi ne, %convert_element_type3A, %cond3A : i32
      scf.if %cond3A_37 {
        %add3A_75 = arith.constant 1 : i32
        %add3A_76 = arith.addi %add3A_24, %add3A_75 : i32
        %mul3A_77 = arith.constant 80 : i32
        %mul3A_78 = arith.muli %add3A_76, %mul3A_77 : i32
        %dma_start3A_79 = tpu.memref_slice %arg8[%mul3A_78] : memref<5120xi32, #tpu.memory_space<vmem>> -> memref<80xi32, #tpu.memory_space<vmem>>
        %dma_start3A_80 = arith.constant 0 : i32
        %dma_start3A_81 = arith.constant 0 : i32
        %dma_start3A_82 = tpu.memref_slice %arg2[%dma_start3A_80, %dma_start3A_81] : memref<10000x256xf32, #tpu.memory_space<hbm>> -> memref<10000x256xf32, #tpu.memory_space<hbm>>
        tpu.enqueue_indirect_dma source(%dma_start3A_82 : memref<10000x256xf32, #tpu.memory_space<hbm>>) target(%arg12 : memref<80x256xf32, #tpu.memory_space<vmem>>) offsets(%dma_start3A_79 : memref<80xi32, #tpu.memory_space<vmem>>) semaphore(%arg17 : memref<!tpu.dma_semaphore, #tpu.memory_space<semaphore_mem>>)
        %dma_start3A_83 = tpu.memref_slice %arg9[%mul3A_78] : memref<5120xi32, #tpu.memory_space<vmem>> -> memref<80xi32, #tpu.memory_space<vmem>>
        %dma_start3A_84 = arith.constant 0 : i32
        %dma_start3A_85 = arith.constant 0 : i32
        %dma_start3A_86 = tpu.memref_slice %arg3[%dma_start3A_84, %dma_start3A_85] : memref<10000x256xf32, #tpu.memory_space<hbm>> -> memref<10000x256xf32, #tpu.memory_space<hbm>>
        tpu.enqueue_indirect_dma source(%dma_start3A_86 : memref<10000x256xf32, #tpu.memory_space<hbm>>) target(%arg14 : memref<80x256xf32, #tpu.memory_space<vmem>>) offsets(%dma_start3A_83 : memref<80xi32, #tpu.memory_space<vmem>>) semaphore(%arg19 : memref<!tpu.dma_semaphore, #tpu.memory_space<semaphore_mem>>)
      } else {
      }
      %mul3A_38 = arith.constant 80 : i32
      %mul3A_39 = arith.muli %add3A_24, %mul3A_38 : i32
      %scan3A_40 = arith.constant 0 : i32
      %scan3A_41 = arith.constant 80 : i32
      %scan3A_42 = arith.addi %scan3A_40, %scan3A_41 : i32
      %scan3A_43 = arith.constant 1 : i32
      %scan3A_44 = scf.for %scan3A_75 = %scan3A_40 to %scan3A_42 step %scan3A_43 iter_args(%scan3A_76 = %scan3A_20) -> (vector<16xf32>)  : i32 {
        %get3A = arith.index_cast %scan3A_75 : i32 to index
        %get3A_77 = arith.constant 0 : index
        %get3A_78 = tpu.vector_load %arg11[%get3A, %get3A_77] {strides = array<i32>} : memref<80x256xf32, #tpu.memory_space<vmem>>, vector<16xf32>,
        %get3A_79 = arith.index_cast %scan3A_75 : i32 to index
        %get3A_80 = arith.constant 0 : index
        %get3A_81 = tpu.vector_load %arg13[%get3A_79, %get3A_80] {strides = array<i32>} : memref<80x256xf32, #tpu.memory_space<vmem>>, vector<16xf32>,
        %mul3A_82 = arith.mulf %get3A_78, %get3A_81 : vector<16xf32>
        %get3A_83 = arith.index_cast %scan3A_75 : i32 to index
        %get3A_84 = arith.constant 16 : index
        %get3A_85 = tpu.vector_load %arg11[%get3A_83, %get3A_84] {strides = array<i32>} : memref<80x256xf32, #tpu.memory_space<vmem>>, vector<16xf32>,
        %get3A_86 = arith.index_cast %scan3A_75 : i32 to index
        %get3A_87 = arith.constant 16 : index
        %get3A_88 = tpu.vector_load %arg13[%get3A_86, %get3A_87] {strides = array<i32>} : memref<80x256xf32, #tpu.memory_space<vmem>>, vector<16xf32>,
        %mul3A_89 = arith.mulf %get3A_85, %get3A_88 : vector<16xf32>
        %get3A_90 = arith.index_cast %scan3A_75 : i32 to index
        %get3A_91 = arith.constant 32 : index
        %get3A_92 = tpu.vector_load %arg11[%get3A_90, %get3A_91] {strides = array<i32>} : memref<80x256xf32, #tpu.memory_space<vmem>>, vector<16xf32>,
        %get3A_93 = arith.index_cast %scan3A_75 : i32 to index
        %get3A_94 = arith.constant 32 : index
        %get3A_95 = tpu.vector_load %arg13[%get3A_93, %get3A_94] {strides = array<i32>} : memref<80x256xf32, #tpu.memory_space<vmem>>, vector<16xf32>,
        %mul3A_96 = arith.mulf %get3A_92, %get3A_95 : vector<16xf32>
        %get3A_97 = arith.index_cast %scan3A_75 : i32 to index
        %get3A_98 = arith.constant 48 : index
        %get3A_99 = tpu.vector_load %arg11[%get3A_97, %get3A_98] {strides = array<i32>} : memref<80x256xf32, #tpu.memory_space<vmem>>, vector<16xf32>,
        %get3A_100 = arith.index_cast %scan3A_75 : i32 to index
        %get3A_101 = arith.constant 48 : index
        %get3A_102 = tpu.vector_load %arg13[%get3A_100, %get3A_101] {strides = array<i32>} : memref<80x256xf32, #tpu.memory_space<vmem>>, vector<16xf32>,
        %mul3A_103 = arith.mulf %get3A_99, %get3A_102 : vector<16xf32>
        %get3A_104 = arith.index_cast %scan3A_75 : i32 to index
        %get3A_105 = arith.constant 64 : index
        %get3A_106 = tpu.vector_load %arg11[%get3A_104, %get3A_105] {strides = array<i32>} : memref<80x256xf32, #tpu.memory_space<vmem>>, vector<16xf32>,
        %get3A_107 = arith.index_cast %scan3A_75 : i32 to index
        %get3A_108 = arith.constant 64 : index
        %get3A_109 = tpu.vector_load %arg13[%get3A_107, %get3A_108] {strides = array<i32>} : memref<80x256xf32, #tpu.memory_space<vmem>>, vector<16xf32>,
        %mul3A_110 = arith.mulf %get3A_106, %get3A_109 : vector<16xf32>
        %get3A_111 = arith.index_cast %scan3A_75 : i32 to index
        %get3A_112 = arith.constant 80 : index
        %get3A_113 = tpu.vector_load %arg11[%get3A_111, %get3A_112] {strides = array<i32>} : memref<80x256xf32, #tpu.memory_space<vmem>>, vector<16xf32>,
        %get3A_114 = arith.index_cast %scan3A_75 : i32 to index
        %get3A_115 = arith.constant 80 : index
        %get3A_116 = tpu.vector_load %arg13[%get3A_114, %get3A_115] {strides = array<i32>} : memref<80x256xf32, #tpu.memory_space<vmem>>, vector<16xf32>,
        %mul3A_117 = arith.mulf %get3A_113, %get3A_116 : vector<16xf32>
        %get3A_118 = arith.index_cast %scan3A_75 : i32 to index
        %get3A_119 = arith.constant 96 : index
        %get3A_120 = tpu.vector_load %arg11[%get3A_118, %get3A_119] {strides = array<i32>} : memref<80x256xf32, #tpu.memory_space<vmem>>, vector<16xf32>,
        %get3A_121 = arith.index_cast %scan3A_75 : i32 to index
        %get3A_122 = arith.constant 96 : index
        %get3A_123 = tpu.vector_load %arg13[%get3A_121, %get3A_122] {strides = array<i32>} : memref<80x256xf32, #tpu.memory_space<vmem>>, vector<16xf32>,
        %mul3A_124 = arith.mulf %get3A_120, %get3A_123 : vector<16xf32>
        %get3A_125 = arith.index_cast %scan3A_75 : i32 to index
        %get3A_126 = arith.constant 112 : index
        %get3A_127 = tpu.vector_load %arg11[%get3A_125, %get3A_126] {strides = array<i32>} : memref<80x256xf32, #tpu.memory_space<vmem>>, vector<16xf32>,
        %get3A_128 = arith.index_cast %scan3A_75 : i32 to index
        %get3A_129 = arith.constant 112 : index
        %get3A_130 = tpu.vector_load %arg13[%get3A_128, %get3A_129] {strides = array<i32>} : memref<80x256xf32, #tpu.memory_space<vmem>>, vector<16xf32>,
        %mul3A_131 = arith.mulf %get3A_127, %get3A_130 : vector<16xf32>
        %get3A_132 = arith.index_cast %scan3A_75 : i32 to index
        %get3A_133 = arith.constant 128 : index
        %get3A_134 = tpu.vector_load %arg11[%get3A_132, %get3A_133] {strides = array<i32>} : memref<80x256xf32, #tpu.memory_space<vmem>>, vector<16xf32>,
        %get3A_135 = arith.index_cast %scan3A_75 : i32 to index
        %get3A_136 = arith.constant 128 : index
        %get3A_137 = tpu.vector_load %arg13[%get3A_135, %get3A_136] {strides = array<i32>} : memref<80x256xf32, #tpu.memory_space<vmem>>, vector<16xf32>,
        %mul3A_138 = arith.mulf %get3A_134, %get3A_137 : vector<16xf32>
        %get3A_139 = arith.index_cast %scan3A_75 : i32 to index
        %get3A_140 = arith.constant 144 : index
        %get3A_141 = tpu.vector_load %arg11[%get3A_139, %get3A_140] {strides = array<i32>} : memref<80x256xf32, #tpu.memory_space<vmem>>, vector<16xf32>,
        %get3A_142 = arith.index_cast %scan3A_75 : i32 to index
        %get3A_143 = arith.constant 144 : index
        %get3A_144 = tpu.vector_load %arg13[%get3A_142, %get3A_143] {strides = array<i32>} : memref<80x256xf32, #tpu.memory_space<vmem>>, vector<16xf32>,
        %mul3A_145 = arith.mulf %get3A_141, %get3A_144 : vector<16xf32>
        %get3A_146 = arith.index_cast %scan3A_75 : i32 to index
        %get3A_147 = arith.constant 160 : index
        %get3A_148 = tpu.vector_load %arg11[%get3A_146, %get3A_147] {strides = array<i32>} : memref<80x256xf32, #tpu.memory_space<vmem>>, vector<16xf32>,
        %get3A_149 = arith.index_cast %scan3A_75 : i32 to index
        %get3A_150 = arith.constant 160 : index
        %get3A_151 = tpu.vector_load %arg13[%get3A_149, %get3A_150] {strides = array<i32>} : memref<80x256xf32, #tpu.memory_space<vmem>>, vector<16xf32>,
        %mul3A_152 = arith.mulf %get3A_148, %get3A_151 : vector<16xf32>
        %get3A_153 = arith.index_cast %scan3A_75 : i32 to index
        %get3A_154 = arith.constant 176 : index
        %get3A_155 = tpu.vector_load %arg11[%get3A_153, %get3A_154] {strides = array<i32>} : memref<80x256xf32, #tpu.memory_space<vmem>>, vector<16xf32>,
        %get3A_156 = arith.index_cast %scan3A_75 : i32 to index
        %get3A_157 = arith.constant 176 : index
        %get3A_158 = tpu.vector_load %arg13[%get3A_156, %get3A_157] {strides = array<i32>} : memref<80x256xf32, #tpu.memory_space<vmem>>, vector<16xf32>,
        %mul3A_159 = arith.mulf %get3A_155, %get3A_158 : vector<16xf32>
        %get3A_160 = arith.index_cast %scan3A_75 : i32 to index
        %get3A_161 = arith.constant 192 : index
        %get3A_162 = tpu.vector_load %arg11[%get3A_160, %get3A_161] {strides = array<i32>} : memref<80x256xf32, #tpu.memory_space<vmem>>, vector<16xf32>,
        %get3A_163 = arith.index_cast %scan3A_75 : i32 to index
        %get3A_164 = arith.constant 192 : index
        %get3A_165 = tpu.vector_load %arg13[%get3A_163, %get3A_164] {strides = array<i32>} : memref<80x256xf32, #tpu.memory_space<vmem>>, vector<16xf32>,
        %mul3A_166 = arith.mulf %get3A_162, %get3A_165 : vector<16xf32>
        %get3A_167 = arith.index_cast %scan3A_75 : i32 to index
        %get3A_168 = arith.constant 208 : index
        %get3A_169 = tpu.vector_load %arg11[%get3A_167, %get3A_168] {strides = array<i32>} : memref<80x256xf32, #tpu.memory_space<vmem>>, vector<16xf32>,
        %get3A_170 = arith.index_cast %scan3A_75 : i32 to index
        %get3A_171 = arith.constant 208 : index
        %get3A_172 = tpu.vector_load %arg13[%get3A_170, %get3A_171] {strides = array<i32>} : memref<80x256xf32, #tpu.memory_space<vmem>>, vector<16xf32>,
        %mul3A_173 = arith.mulf %get3A_169, %get3A_172 : vector<16xf32>
        %get3A_174 = arith.index_cast %scan3A_75 : i32 to index
        %get3A_175 = arith.constant 224 : index
        %get3A_176 = tpu.vector_load %arg11[%get3A_174, %get3A_175] {strides = array<i32>} : memref<80x256xf32, #tpu.memory_space<vmem>>, vector<16xf32>,
        %get3A_177 = arith.index_cast %scan3A_75 : i32 to index
        %get3A_178 = arith.constant 224 : index
        %get3A_179 = tpu.vector_load %arg13[%get3A_177, %get3A_178] {strides = array<i32>} : memref<80x256xf32, #tpu.memory_space<vmem>>, vector<16xf32>,
        %mul3A_180 = arith.mulf %get3A_176, %get3A_179 : vector<16xf32>
        %get3A_181 = arith.index_cast %scan3A_75 : i32 to index
        %get3A_182 = arith.constant 240 : index
        %get3A_183 = tpu.vector_load %arg11[%get3A_181, %get3A_182] {strides = array<i32>} : memref<80x256xf32, #tpu.memory_space<vmem>>, vector<16xf32>,
        %get3A_184 = arith.index_cast %scan3A_75 : i32 to index
        %get3A_185 = arith.constant 240 : index
        %get3A_186 = tpu.vector_load %arg13[%get3A_184, %get3A_185] {strides = array<i32>} : memref<80x256xf32, #tpu.memory_space<vmem>>, vector<16xf32>,
        %mul3A_187 = arith.mulf %get3A_183, %get3A_186 : vector<16xf32>
        %add3A_188 = arith.addf %mul3A_82, %mul3A_89 : vector<16xf32>
        %add3A_189 = arith.addf %mul3A_96, %mul3A_103 : vector<16xf32>
        %add3A_190 = arith.addf %mul3A_110, %mul3A_117 : vector<16xf32>
        %add3A_191 = arith.addf %mul3A_124, %mul3A_131 : vector<16xf32>
        %add3A_192 = arith.addf %mul3A_138, %mul3A_145 : vector<16xf32>
        %add3A_193 = arith.addf %mul3A_152, %mul3A_159 : vector<16xf32>
        %add3A_194 = arith.addf %mul3A_166, %mul3A_173 : vector<16xf32>
        %add3A_195 = arith.addf %mul3A_180, %mul3A_187 : vector<16xf32>
        %add3A_196 = arith.addf %add3A_188, %add3A_189 : vector<16xf32>
        %add3A_197 = arith.addf %add3A_190, %add3A_191 : vector<16xf32>
        %add3A_198 = arith.addf %add3A_192, %add3A_193 : vector<16xf32>
        %add3A_199 = arith.addf %add3A_194, %add3A_195 : vector<16xf32>
        %add3A_200 = arith.addf %add3A_196, %add3A_197 : vector<16xf32>
        %add3A_201 = arith.addf %add3A_198, %add3A_199 : vector<16xf32>
        %add3A_202 = arith.addf %add3A_200, %add3A_201 : vector<16xf32>
        %reduce_sum3A = arith.constant true
        %reduce_sum3A_203 = vector.broadcast %reduce_sum3A : i1 to vector<16xi1>
        %reduce_sum3A_204 = tpu.scan <sum>, %add3A_202 masked %reduce_sum3A_203 : vector<16xf32>, vector<16xi1> -> vector<16xf32>
        %reduce_sum3A_205 = vector.extract %reduce_sum3A_204[15] : f32 from vector<16xf32>
        %add3A_206 = arith.addi %mul3A_39, %scan3A_75 : i32
        %get3A_207 = arith.index_cast %add3A_206 : i32 to index
        %get3A_208 = tpu.vector_load %arg10[%get3A_207] {strides = array<i32>} : memref<5136xf32, #tpu.memory_space<vmem>>, vector<16xf32>,
        %sub3A = arith.constant 5.000000e-01 : f32
        %sub3A_209 = arith.subf %sub3A, %reduce_sum3A_205 : f32
        %max3A = arith.constant 0.000000e+00 : f32
        %max3A_210 = arith.maximumf %sub3A_209, %max3A : f32
        %slice3A = vector.extract_strided_slice %get3A_208 {offsets = [0], sizes = [1], strides = [1]} : vector<16xf32> to vector<1xf32>
        %squeeze3A = vector.extract %slice3A[0] : f32 from vector<1xf32>
        %mul3A_211 = arith.mulf %max3A_210, %squeeze3A : f32
        %broadcast_in_dim3A_212 = vector.broadcast %mul3A_211 : f32 to vector<16xf32>
        %add3A_213 = arith.addf %scan3A_76, %broadcast_in_dim3A_212 : vector<16xf32>
        scf.yield %add3A_213 : vector<16xf32>
      }
      %scan3A_45 = arith.constant 80 : i32
      %mul3A_46 = arith.constant 2 : i32
      %mul3A_47 = arith.muli %mul3A_46, %scan3A_19 : i32
      %add3A_48 = arith.constant 1 : i32
      %add3A_49 = arith.addi %mul3A_47, %add3A_48 : i32
      %dma_wait3A_50 = arith.constant 0 : i32
      %dma_wait3A_51 = tpu.memref_slice %arg8[%dma_wait3A_50] : memref<5120xi32, #tpu.memory_space<vmem>> -> memref<80xi32, #tpu.memory_space<vmem>>
      %dma_wait3A_52 = arith.constant 0 : i32
      %dma_wait3A_53 = arith.constant 0 : i32
      %dma_wait3A_54 = tpu.memref_slice %arg2[%dma_wait3A_52, %dma_wait3A_53] : memref<10000x256xf32, #tpu.memory_space<hbm>> -> memref<10000x256xf32, #tpu.memory_space<hbm>>
      tpu.wait_indirect_dma semaphore(%arg17 : memref<!tpu.dma_semaphore, #tpu.memory_space<semaphore_mem>>) src(%dma_wait3A_54 : memref<10000x256xf32, #tpu.memory_space<hbm>>) dst(%arg12 : memref<80x256xf32, #tpu.memory_space<vmem>>)
      %dma_wait3A_55 = arith.constant 0 : i32
      %dma_wait3A_56 = tpu.memref_slice %arg9[%dma_wait3A_55] : memref<5120xi32, #tpu.memory_space<vmem>> -> memref<80xi32, #tpu.memory_space<vmem>>
      %dma_wait3A_57 = arith.constant 0 : i32
      %dma_wait3A_58 = arith.constant 0 : i32
      %dma_wait3A_59 = tpu.memref_slice %arg3[%dma_wait3A_57, %dma_wait3A_58] : memref<10000x256xf32, #tpu.memory_space<hbm>> -> memref<10000x256xf32, #tpu.memory_space<hbm>>
      tpu.wait_indirect_dma semaphore(%arg19 : memref<!tpu.dma_semaphore, #tpu.memory_space<semaphore_mem>>) src(%dma_wait3A_59 : memref<10000x256xf32, #tpu.memory_space<hbm>>) dst(%arg14 : memref<80x256xf32, #tpu.memory_space<vmem>>)
      %add3A_60 = arith.constant 1 : i32
      %add3A_61 = arith.addi %add3A_49, %add3A_60 : i32
      %lt3A_62 = arith.constant 64 : i32
      %lt3A_63 = arith.cmpi slt, %add3A_61, %lt3A_62 : i32
      %convert_element_type3A_64 = arith.extui %lt3A_63 : i1 to i32
      %cond3A_65 = arith.constant 0 : i32
      %cond3A_66 = arith.cmpi ne, %convert_element_type3A_64, %cond3A_65 : i32
      scf.if %cond3A_66 {
        %add3A_75 = arith.constant 1 : i32
        %add3A_76 = arith.addi %add3A_49, %add3A_75 : i32
        %mul3A_77 = arith.constant 80 : i32
        %mul3A_78 = arith.muli %add3A_76, %mul3A_77 : i32
        %dma_start3A_79 = tpu.memref_slice %arg8[%mul3A_78] : memref<5120xi32, #tpu.memory_space<vmem>> -> memref<80xi32, #tpu.memory_space<vmem>>
        %dma_start3A_80 = arith.constant 0 : i32
        %dma_start3A_81 = arith.constant 0 : i32
        %dma_start3A_82 = tpu.memref_slice %arg2[%dma_start3A_80, %dma_start3A_81] : memref<10000x256xf32, #tpu.memory_space<hbm>> -> memref<10000x256xf32, #tpu.memory_space<hbm>>
        tpu.enqueue_indirect_dma source(%dma_start3A_82 : memref<10000x256xf32, #tpu.memory_space<hbm>>) target(%arg11 : memref<80x256xf32, #tpu.memory_space<vmem>>) offsets(%dma_start3A_79 : memref<80xi32, #tpu.memory_space<vmem>>) semaphore(%arg16 : memref<!tpu.dma_semaphore, #tpu.memory_space<semaphore_mem>>)
        %dma_start3A_83 = tpu.memref_slice %arg9[%mul3A_78] : memref<5120xi32, #tpu.memory_space<vmem>> -> memref<80xi32, #tpu.memory_space<vmem>>
        %dma_start3A_84 = arith.constant 0 : i32
        %dma_start3A_85 = arith.constant 0 : i32
        %dma_start3A_86 = tpu.memref_slice %arg3[%dma_start3A_84, %dma_start3A_85] : memref<10000x256xf32, #tpu.memory_space<hbm>> -> memref<10000x256xf32, #tpu.memory_space<hbm>>
        tpu.enqueue_indirect_dma source(%dma_start3A_86 : memref<10000x256xf32, #tpu.memory_space<hbm>>) target(%arg13 : memref<80x256xf32, #tpu.memory_space<vmem>>) offsets(%dma_start3A_83 : memref<80xi32, #tpu.memory_space<vmem>>) semaphore(%arg18 : memref<!tpu.dma_semaphore, #tpu.memory_space<semaphore_mem>>)
      } else {
      }
      %mul3A_67 = arith.constant 80 : i32
      %mul3A_68 = arith.muli %add3A_49, %mul3A_67 : i32
      %scan3A_69 = arith.constant 0 : i32
      %scan3A_70 = arith.constant 80 : i32
      %scan3A_71 = arith.addi %scan3A_69, %scan3A_70 : i32
      %scan3A_72 = arith.constant 1 : i32
      %scan3A_73 = scf.for %scan3A_75 = %scan3A_69 to %scan3A_71 step %scan3A_72 iter_args(%scan3A_76 = %scan3A_44) -> (vector<16xf32>)  : i32 {
        %get3A = arith.index_cast %scan3A_75 : i32 to index
        %get3A_77 = arith.constant 0 : index
        %get3A_78 = tpu.vector_load %arg12[%get3A, %get3A_77] {strides = array<i32>} : memref<80x256xf32, #tpu.memory_space<vmem>>, vector<16xf32>,
        %get3A_79 = arith.index_cast %scan3A_75 : i32 to index
        %get3A_80 = arith.constant 0 : index
        %get3A_81 = tpu.vector_load %arg14[%get3A_79, %get3A_80] {strides = array<i32>} : memref<80x256xf32, #tpu.memory_space<vmem>>, vector<16xf32>,
        %mul3A_82 = arith.mulf %get3A_78, %get3A_81 : vector<16xf32>
        %get3A_83 = arith.index_cast %scan3A_75 : i32 to index
        %get3A_84 = arith.constant 16 : index
        %get3A_85 = tpu.vector_load %arg12[%get3A_83, %get3A_84] {strides = array<i32>} : memref<80x256xf32, #tpu.memory_space<vmem>>, vector<16xf32>,
        %get3A_86 = arith.index_cast %scan3A_75 : i32 to index
        %get3A_87 = arith.constant 16 : index
        %get3A_88 = tpu.vector_load %arg14[%get3A_86, %get3A_87] {strides = array<i32>} : memref<80x256xf32, #tpu.memory_space<vmem>>, vector<16xf32>,
        %mul3A_89 = arith.mulf %get3A_85, %get3A_88 : vector<16xf32>
        %get3A_90 = arith.index_cast %scan3A_75 : i32 to index
        %get3A_91 = arith.constant 32 : index
        %get3A_92 = tpu.vector_load %arg12[%get3A_90, %get3A_91] {strides = array<i32>} : memref<80x256xf32, #tpu.memory_space<vmem>>, vector<16xf32>,
        %get3A_93 = arith.index_cast %scan3A_75 : i32 to index
        %get3A_94 = arith.constant 32 : index
        %get3A_95 = tpu.vector_load %arg14[%get3A_93, %get3A_94] {strides = array<i32>} : memref<80x256xf32, #tpu.memory_space<vmem>>, vector<16xf32>,
        %mul3A_96 = arith.mulf %get3A_92, %get3A_95 : vector<16xf32>
        %get3A_97 = arith.index_cast %scan3A_75 : i32 to index
        %get3A_98 = arith.constant 48 : index
        %get3A_99 = tpu.vector_load %arg12[%get3A_97, %get3A_98] {strides = array<i32>} : memref<80x256xf32, #tpu.memory_space<vmem>>, vector<16xf32>,
        %get3A_100 = arith.index_cast %scan3A_75 : i32 to index
        %get3A_101 = arith.constant 48 : index
        %get3A_102 = tpu.vector_load %arg14[%get3A_100, %get3A_101] {strides = array<i32>} : memref<80x256xf32, #tpu.memory_space<vmem>>, vector<16xf32>,
        %mul3A_103 = arith.mulf %get3A_99, %get3A_102 : vector<16xf32>
        %get3A_104 = arith.index_cast %scan3A_75 : i32 to index
        %get3A_105 = arith.constant 64 : index
        %get3A_106 = tpu.vector_load %arg12[%get3A_104, %get3A_105] {strides = array<i32>} : memref<80x256xf32, #tpu.memory_space<vmem>>, vector<16xf32>,
        %get3A_107 = arith.index_cast %scan3A_75 : i32 to index
        %get3A_108 = arith.constant 64 : index
        %get3A_109 = tpu.vector_load %arg14[%get3A_107, %get3A_108] {strides = array<i32>} : memref<80x256xf32, #tpu.memory_space<vmem>>, vector<16xf32>,
        %mul3A_110 = arith.mulf %get3A_106, %get3A_109 : vector<16xf32>
        %get3A_111 = arith.index_cast %scan3A_75 : i32 to index
        %get3A_112 = arith.constant 80 : index
        %get3A_113 = tpu.vector_load %arg12[%get3A_111, %get3A_112] {strides = array<i32>} : memref<80x256xf32, #tpu.memory_space<vmem>>, vector<16xf32>,
        %get3A_114 = arith.index_cast %scan3A_75 : i32 to index
        %get3A_115 = arith.constant 80 : index
        %get3A_116 = tpu.vector_load %arg14[%get3A_114, %get3A_115] {strides = array<i32>} : memref<80x256xf32, #tpu.memory_space<vmem>>, vector<16xf32>,
        %mul3A_117 = arith.mulf %get3A_113, %get3A_116 : vector<16xf32>
        %get3A_118 = arith.index_cast %scan3A_75 : i32 to index
        %get3A_119 = arith.constant 96 : index
        %get3A_120 = tpu.vector_load %arg12[%get3A_118, %get3A_119] {strides = array<i32>} : memref<80x256xf32, #tpu.memory_space<vmem>>, vector<16xf32>,
        %get3A_121 = arith.index_cast %scan3A_75 : i32 to index
        %get3A_122 = arith.constant 96 : index
        %get3A_123 = tpu.vector_load %arg14[%get3A_121, %get3A_122] {strides = array<i32>} : memref<80x256xf32, #tpu.memory_space<vmem>>, vector<16xf32>,
        %mul3A_124 = arith.mulf %get3A_120, %get3A_123 : vector<16xf32>
        %get3A_125 = arith.index_cast %scan3A_75 : i32 to index
        %get3A_126 = arith.constant 112 : index
        %get3A_127 = tpu.vector_load %arg12[%get3A_125, %get3A_126] {strides = array<i32>} : memref<80x256xf32, #tpu.memory_space<vmem>>, vector<16xf32>,
        %get3A_128 = arith.index_cast %scan3A_75 : i32 to index
        %get3A_129 = arith.constant 112 : index
        %get3A_130 = tpu.vector_load %arg14[%get3A_128, %get3A_129] {strides = array<i32>} : memref<80x256xf32, #tpu.memory_space<vmem>>, vector<16xf32>,
        %mul3A_131 = arith.mulf %get3A_127, %get3A_130 : vector<16xf32>
        %get3A_132 = arith.index_cast %scan3A_75 : i32 to index
        %get3A_133 = arith.constant 128 : index
        %get3A_134 = tpu.vector_load %arg12[%get3A_132, %get3A_133] {strides = array<i32>} : memref<80x256xf32, #tpu.memory_space<vmem>>, vector<16xf32>,
        %get3A_135 = arith.index_cast %scan3A_75 : i32 to index
        %get3A_136 = arith.constant 128 : index
        %get3A_137 = tpu.vector_load %arg14[%get3A_135, %get3A_136] {strides = array<i32>} : memref<80x256xf32, #tpu.memory_space<vmem>>, vector<16xf32>,
        %mul3A_138 = arith.mulf %get3A_134, %get3A_137 : vector<16xf32>
        %get3A_139 = arith.index_cast %scan3A_75 : i32 to index
        %get3A_140 = arith.constant 144 : index
        %get3A_141 = tpu.vector_load %arg12[%get3A_139, %get3A_140] {strides = array<i32>} : memref<80x256xf32, #tpu.memory_space<vmem>>, vector<16xf32>,
        %get3A_142 = arith.index_cast %scan3A_75 : i32 to index
        %get3A_143 = arith.constant 144 : index
        %get3A_144 = tpu.vector_load %arg14[%get3A_142, %get3A_143] {strides = array<i32>} : memref<80x256xf32, #tpu.memory_space<vmem>>, vector<16xf32>,
        %mul3A_145 = arith.mulf %get3A_141, %get3A_144 : vector<16xf32>
        %get3A_146 = arith.index_cast %scan3A_75 : i32 to index
        %get3A_147 = arith.constant 160 : index
        %get3A_148 = tpu.vector_load %arg12[%get3A_146, %get3A_147] {strides = array<i32>} : memref<80x256xf32, #tpu.memory_space<vmem>>, vector<16xf32>,
        %get3A_149 = arith.index_cast %scan3A_75 : i32 to index
        %get3A_150 = arith.constant 160 : index
        %get3A_151 = tpu.vector_load %arg14[%get3A_149, %get3A_150] {strides = array<i32>} : memref<80x256xf32, #tpu.memory_space<vmem>>, vector<16xf32>,
        %mul3A_152 = arith.mulf %get3A_148, %get3A_151 : vector<16xf32>
        %get3A_153 = arith.index_cast %scan3A_75 : i32 to index
        %get3A_154 = arith.constant 176 : index
        %get3A_155 = tpu.vector_load %arg12[%get3A_153, %get3A_154] {strides = array<i32>} : memref<80x256xf32, #tpu.memory_space<vmem>>, vector<16xf32>,
        %get3A_156 = arith.index_cast %scan3A_75 : i32 to index
        %get3A_157 = arith.constant 176 : index
        %get3A_158 = tpu.vector_load %arg14[%get3A_156, %get3A_157] {strides = array<i32>} : memref<80x256xf32, #tpu.memory_space<vmem>>, vector<16xf32>,
        %mul3A_159 = arith.mulf %get3A_155, %get3A_158 : vector<16xf32>
        %get3A_160 = arith.index_cast %scan3A_75 : i32 to index
        %get3A_161 = arith.constant 192 : index
        %get3A_162 = tpu.vector_load %arg12[%get3A_160, %get3A_161] {strides = array<i32>} : memref<80x256xf32, #tpu.memory_space<vmem>>, vector<16xf32>,
        %get3A_163 = arith.index_cast %scan3A_75 : i32 to index
        %get3A_164 = arith.constant 192 : index
        %get3A_165 = tpu.vector_load %arg14[%get3A_163, %get3A_164] {strides = array<i32>} : memref<80x256xf32, #tpu.memory_space<vmem>>, vector<16xf32>,
        %mul3A_166 = arith.mulf %get3A_162, %get3A_165 : vector<16xf32>
        %get3A_167 = arith.index_cast %scan3A_75 : i32 to index
        %get3A_168 = arith.constant 208 : index
        %get3A_169 = tpu.vector_load %arg12[%get3A_167, %get3A_168] {strides = array<i32>} : memref<80x256xf32, #tpu.memory_space<vmem>>, vector<16xf32>,
        %get3A_170 = arith.index_cast %scan3A_75 : i32 to index
        %get3A_171 = arith.constant 208 : index
        %get3A_172 = tpu.vector_load %arg14[%get3A_170, %get3A_171] {strides = array<i32>} : memref<80x256xf32, #tpu.memory_space<vmem>>, vector<16xf32>,
        %mul3A_173 = arith.mulf %get3A_169, %get3A_172 : vector<16xf32>
        %get3A_174 = arith.index_cast %scan3A_75 : i32 to index
        %get3A_175 = arith.constant 224 : index
        %get3A_176 = tpu.vector_load %arg12[%get3A_174, %get3A_175] {strides = array<i32>} : memref<80x256xf32, #tpu.memory_space<vmem>>, vector<16xf32>,
        %get3A_177 = arith.index_cast %scan3A_75 : i32 to index
        %get3A_178 = arith.constant 224 : index
        %get3A_179 = tpu.vector_load %arg14[%get3A_177, %get3A_178] {strides = array<i32>} : memref<80x256xf32, #tpu.memory_space<vmem>>, vector<16xf32>,
        %mul3A_180 = arith.mulf %get3A_176, %get3A_179 : vector<16xf32>
        %get3A_181 = arith.index_cast %scan3A_75 : i32 to index
        %get3A_182 = arith.constant 240 : index
        %get3A_183 = tpu.vector_load %arg12[%get3A_181, %get3A_182] {strides = array<i32>} : memref<80x256xf32, #tpu.memory_space<vmem>>, vector<16xf32>,
        %get3A_184 = arith.index_cast %scan3A_75 : i32 to index
        %get3A_185 = arith.constant 240 : index
        %get3A_186 = tpu.vector_load %arg14[%get3A_184, %get3A_185] {strides = array<i32>} : memref<80x256xf32, #tpu.memory_space<vmem>>, vector<16xf32>,
        %mul3A_187 = arith.mulf %get3A_183, %get3A_186 : vector<16xf32>
        %add3A_188 = arith.addf %mul3A_82, %mul3A_89 : vector<16xf32>
        %add3A_189 = arith.addf %mul3A_96, %mul3A_103 : vector<16xf32>
        %add3A_190 = arith.addf %mul3A_110, %mul3A_117 : vector<16xf32>
        %add3A_191 = arith.addf %mul3A_124, %mul3A_131 : vector<16xf32>
        %add3A_192 = arith.addf %mul3A_138, %mul3A_145 : vector<16xf32>
        %add3A_193 = arith.addf %mul3A_152, %mul3A_159 : vector<16xf32>
        %add3A_194 = arith.addf %mul3A_166, %mul3A_173 : vector<16xf32>
        %add3A_195 = arith.addf %mul3A_180, %mul3A_187 : vector<16xf32>
        %add3A_196 = arith.addf %add3A_188, %add3A_189 : vector<16xf32>
        %add3A_197 = arith.addf %add3A_190, %add3A_191 : vector<16xf32>
        %add3A_198 = arith.addf %add3A_192, %add3A_193 : vector<16xf32>
        %add3A_199 = arith.addf %add3A_194, %add3A_195 : vector<16xf32>
        %add3A_200 = arith.addf %add3A_196, %add3A_197 : vector<16xf32>
        %add3A_201 = arith.addf %add3A_198, %add3A_199 : vector<16xf32>
        %add3A_202 = arith.addf %add3A_200, %add3A_201 : vector<16xf32>
        %reduce_sum3A = arith.constant true
        %reduce_sum3A_203 = vector.broadcast %reduce_sum3A : i1 to vector<16xi1>
        %reduce_sum3A_204 = tpu.scan <sum>, %add3A_202 masked %reduce_sum3A_203 : vector<16xf32>, vector<16xi1> -> vector<16xf32>
        %reduce_sum3A_205 = vector.extract %reduce_sum3A_204[15] : f32 from vector<16xf32>
        %add3A_206 = arith.addi %mul3A_68, %scan3A_75 : i32
        %get3A_207 = arith.index_cast %add3A_206 : i32 to index
        %get3A_208 = tpu.vector_load %arg10[%get3A_207] {strides = array<i32>} : memref<5136xf32, #tpu.memory_space<vmem>>, vector<16xf32>,
        %sub3A = arith.constant 5.000000e-01 : f32
        %sub3A_209 = arith.subf %sub3A, %reduce_sum3A_205 : f32
        %max3A = arith.constant 0.000000e+00 : f32
        %max3A_210 = arith.maximumf %sub3A_209, %max3A : f32
        %slice3A = vector.extract_strided_slice %get3A_208 {offsets = [0], sizes = [1], strides = [1]} : vector<16xf32> to vector<1xf32>
        %squeeze3A = vector.extract %slice3A[0] : f32 from vector<1xf32>
        %mul3A_211 = arith.mulf %max3A_210, %squeeze3A : f32
        %broadcast_in_dim3A_212 = vector.broadcast %mul3A_211 : f32 to vector<16xf32>
        %add3A_213 = arith.addf %scan3A_76, %broadcast_in_dim3A_212 : vector<16xf32>
        scf.yield %add3A_213 : vector<16xf32>
      }
      %scan3A_74 = arith.constant 80 : i32
      scf.yield %scan3A_73 : vector<16xf32>
    }
    %scan3A_17 = arith.constant 32 : i32
    %swap3A = arith.constant 0 : index
    %swap3A_18 = tpu.vector_load %arg15[%swap3A] {strides = array<i32>} : memref<16xf32, #tpu.memory_space<vmem>>, vector<16xf32>,
    tpu.vector_store %arg15[%swap3A], %scan3A_16 {strides = array<i32>} : memref<16xf32, #tpu.memory_space<vmem>>, vector<16xf32>,
    "tpu.region"() ({
      %run_scoped3A = tpu.sem_alloc : memref<!tpu.dma_semaphore, #tpu.memory_space<semaphore_mem>>
      %dma_start3A_19 = arith.constant 0 : i32
      %dma_start3A_20 = tpu.memref_slice %arg7[%add3A, %dma_start3A_19] : memref<32x16xf32, #tpu.memory_space<hbm>> -> memref<1x16xf32, #tpu.memory_space<hbm>>
      %dma_start3A_21 = tpu.memref_squeeze %dma_start3A_20 : memref<1x16xf32, #tpu.memory_space<hbm>> -> memref<16xf32, #tpu.memory_space<hbm>>
      %dma_start3A_22 = arith.constant 0 : i32
      %dma_start3A_23 = tpu.memref_slice %arg7[%add3A, %dma_start3A_22] : memref<32x16xf32, #tpu.memory_space<hbm>> -> memref<1x16xf32, #tpu.memory_space<hbm>>
      %dma_start3A_24 = tpu.memref_squeeze %dma_start3A_23 : memref<1x16xf32, #tpu.memory_space<hbm>> -> memref<16xf32, #tpu.memory_space<hbm>>
      tpu.enqueue_dma source(%arg15 : memref<16xf32, #tpu.memory_space<vmem>>) target(%dma_start3A_24 : memref<16xf32, #tpu.memory_space<hbm>>) target_semaphore(%run_scoped3A : memref<!tpu.dma_semaphore, #tpu.memory_space<semaphore_mem>>)
      %dma_wait3A = arith.constant 0 : i32
      %dma_wait3A_25 = tpu.memref_slice %arg7[%add3A, %dma_wait3A] : memref<32x16xf32, #tpu.memory_space<hbm>> -> memref<1x16xf32, #tpu.memory_space<hbm>>
      %dma_wait3A_26 = tpu.memref_squeeze %dma_wait3A_25 : memref<1x16xf32, #tpu.memory_space<hbm>> -> memref<16xf32, #tpu.memory_space<hbm>>
      %dma_wait3A_27 = arith.constant 0 : i32
      %dma_wait3A_28 = tpu.memref_slice %arg7[%add3A, %dma_wait3A_27] : memref<32x16xf32, #tpu.memory_space<hbm>> -> memref<1x16xf32, #tpu.memory_space<hbm>>
      %dma_wait3A_29 = tpu.memref_squeeze %dma_wait3A_28 : memref<1x16xf32, #tpu.memory_space<hbm>> -> memref<16xf32, #tpu.memory_space<hbm>>
      tpu.wait_dma2 semaphore(%run_scoped3A : memref<!tpu.dma_semaphore, #tpu.memory_space<semaphore_mem>>) src(%arg15 : memref<16xf32, #tpu.memory_space<vmem>>) dst(%dma_wait3A_29 : memref<16xf32, #tpu.memory_space<hbm>>)
      tpu.yield
    }) : () -> ()
    return
  }
}

module attributes {stable_mosaic.version = 14 : i64} {
  func.func @_norm_body(%arg0: i32, %arg1: memref<1000x256xf32, #tpu.memory_space<vmem>>, %arg2: memref<1000x256xf32, #tpu.memory_space<vmem>>, %arg3: memref<1000x256xf32, #tpu.memory_space<vmem>>, %arg4: memref<1000x256xf32, #tpu.memory_space<vmem>>) attributes {dimension_semantics = [#tpu.dimension_semantics<arbitrary>], iteration_bounds = array<i64: 10>, scalar_prefetch = 0 : i64, scratch_operands = 0 : i64, tpu.core_type = #tpu.core_type<tc>, window_params = [{transform_indices = @transform_0, window_bounds = array<i64: 1000, 256>}, {transform_indices = @transform_1, window_bounds = array<i64: 1000, 256>}, {transform_indices = @transform_2, window_bounds = array<i64: 1000, 256>}, {transform_indices = @transform_3, window_bounds = array<i64: 1000, 256>}]} {
    %get3A = arith.constant 0 : index
    %get3A_0 = arith.constant 0 : index
    %get3A_1 = vector.load %arg1[%get3A, %get3A_0] : memref<1000x256xf32, #tpu.memory_space<vmem>>, vector<1000x256xf32>
    %mul3A = arith.mulf %get3A_1, %get3A_1 : vector<1000x256xf32>
    %reduce_sum3A = arith.constant dense<0.000000e+00> : vector<1000xf32>
    %reduce_sum3A_2 = vector.multi_reduction <add>, %mul3A, %reduce_sum3A [1] : vector<1000x256xf32> to vector<1000xf32>
    %broadcast_in_dim3A = vector.shape_cast %reduce_sum3A_2 : vector<1000xf32> to vector<1000x1xf32>
    %sqrt3A = math.sqrt %broadcast_in_dim3A : vector<1000x1xf32>
    %max3A = arith.constant 9.99999996E-13 : f32
    %max3A_3 = vector.broadcast %max3A : f32 to vector<1000x1xf32>
    %max3A_4 = arith.maximumf %sqrt3A, %max3A_3 : vector<1000x1xf32>
    %div3A = vector.broadcast %max3A_4 : vector<1000x1xf32> to vector<1000x256xf32>
    %div3A_5 = arith.divf %get3A_1, %div3A : vector<1000x256xf32>
    %swap3A = arith.constant 0 : index
    %swap3A_6 = arith.constant 0 : index
    %swap3A_7 = vector.load %arg3[%swap3A, %swap3A_6] : memref<1000x256xf32, #tpu.memory_space<vmem>>, vector<1000x256xf32>
    tpu.vector_store %arg3[%swap3A, %swap3A_6], %div3A_5 {strides = array<i32>} : memref<1000x256xf32, #tpu.memory_space<vmem>>, vector<1000x256xf32>,
    %get3A_8 = arith.constant 0 : index
    %get3A_9 = arith.constant 0 : index
    %get3A_10 = vector.load %arg2[%get3A_8, %get3A_9] : memref<1000x256xf32, #tpu.memory_space<vmem>>, vector<1000x256xf32>
    %mul3A_11 = arith.mulf %get3A_10, %get3A_10 : vector<1000x256xf32>
    %reduce_sum3A_12 = arith.constant dense<0.000000e+00> : vector<1000xf32>
    %reduce_sum3A_13 = vector.multi_reduction <add>, %mul3A_11, %reduce_sum3A_12 [1] : vector<1000x256xf32> to vector<1000xf32>
    %broadcast_in_dim3A_14 = vector.shape_cast %reduce_sum3A_13 : vector<1000xf32> to vector<1000x1xf32>
    %sqrt3A_15 = math.sqrt %broadcast_in_dim3A_14 : vector<1000x1xf32>
    %max3A_16 = arith.constant 9.99999996E-13 : f32
    %max3A_17 = vector.broadcast %max3A_16 : f32 to vector<1000x1xf32>
    %max3A_18 = arith.maximumf %sqrt3A_15, %max3A_17 : vector<1000x1xf32>
    %div3A_19 = vector.broadcast %max3A_18 : vector<1000x1xf32> to vector<1000x256xf32>
    %div3A_20 = arith.divf %get3A_10, %div3A_19 : vector<1000x256xf32>
    %swap3A_21 = arith.constant 0 : index
    %swap3A_22 = arith.constant 0 : index
    %swap3A_23 = vector.load %arg4[%swap3A_21, %swap3A_22] : memref<1000x256xf32, #tpu.memory_space<vmem>>, vector<1000x256xf32>
    tpu.vector_store %arg4[%swap3A_21, %swap3A_22], %div3A_20 {strides = array<i32>} : memref<1000x256xf32, #tpu.memory_space<vmem>>, vector<1000x256xf32>,
    return
  }
  func.func @transform_0(%arg0: i32) -> (i32, i32) {
    %c0_i32 = arith.constant 0 : i32
    %c0_i32_0 = arith.constant 0 : i32
    return %arg0, %c0_i32 : i32, i32
  }
  func.func @transform_1(%arg0: i32) -> (i32, i32) {
    %c0_i32 = arith.constant 0 : i32
    %c0_i32_0 = arith.constant 0 : i32
    return %arg0, %c0_i32 : i32, i32
  }
  func.func @transform_2(%arg0: i32) -> (i32, i32) {
    %c0_i32 = arith.constant 0 : i32
    %c0_i32_0 = arith.constant 0 : i32
    return %arg0, %c0_i32 : i32, i32
  }
  func.func @transform_3(%arg0: i32) -> (i32, i32) {
    %c0_i32 = arith.constant 0 : i32
    %c0_i32_0 = arith.constant 0 : i32
    return %arg0, %c0_i32 : i32, i32
  }
}

module attributes {stable_mosaic.version = 14 : i64} {
  func.func @_fin_body(%arg0: memref<32x16xf32, #tpu.memory_space<vmem>>, %arg1: memref<1x1xf32, #tpu.memory_space<vmem>>) attributes {dimension_semantics = [], scalar_prefetch = 0 : i64, scratch_operands = 0 : i64, tpu.core_type = #tpu.core_type<tc>} {
    %get3A = arith.constant 0 : index
    %get3A_0 = arith.constant 0 : index
    %get3A_1 = vector.load %arg0[%get3A, %get3A_0] : memref<32x16xf32, #tpu.memory_space<vmem>>, vector<32x16xf32>
    %reduce_sum3A = vector.shape_cast %get3A_1 : vector<32x16xf32> to vector<1x32x16xf32>
    %reduce_sum3A_2 = arith.constant dense<0.000000e+00> : vector<1xf32>
    %reduce_sum3A_3 = vector.multi_reduction <add>, %reduce_sum3A, %reduce_sum3A_2 [1, 2] : vector<1x32x16xf32> to vector<1xf32>
    %reduce_sum3A_4 = vector.shape_cast %reduce_sum3A_3 : vector<1xf32> to vector<1x1x1xf32>
    %reduce_sum3A_5 = vector.extract %reduce_sum3A_4[0, 0, 0] : f32 from vector<1x1x1xf32>
    %mul3A = arith.constant 3.906250e-07 : f32
    %mul3A_6 = arith.mulf %reduce_sum3A_5, %mul3A : f32
    %broadcast_in_dim3A = vector.broadcast %mul3A_6 : f32 to vector<1x1xf32>
    %swap3A = arith.constant 0 : index
    %swap3A_7 = arith.constant 0 : index
    %swap3A_8 = vector.load %arg1[%swap3A, %swap3A_7] : memref<1x1xf32, #tpu.memory_space<vmem>>, vector<1x1xf32>
    tpu.vector_store %arg1[%swap3A, %swap3A_7], %broadcast_in_dim3A {strides = array<i32>} : memref<1x1xf32, #tpu.memory_space<vmem>>, vector<1x1xf32>,
    return
  }
}

</mosaic_0001>

<sc_bundles>
// kernel: kernel.5.cloned.1.call-start
scs
__scs_entry_jumppad:
0x0: {  	(pc) =	sbr.rel $0x88, $3  }
0x1: {  	(tag) =	ssettag $0x0;
	lr =	simm.s32 $0x1  }
0x2: {  	[smem:$0x3F9D] =	sst lr;
	_ =	strace $0xD0000000  }
0x3: {  	_ = 	snop  }
0x4: {  	_ = 	snop  }
0x5: {  	_ = 	snop  }
0x6: {  	_ = 	snop  }
0x7: {  	_ = 	snop  }
__scs_overlays_trampoline_lowered:
0x8: {  	[smem:$0x3FAC] =	sst s0  }
0x9: {  	[smem:$0x3FAD] =	sst s1  }
0xa: {  	[smem:$0x3FAE] =	sst s2  }
0xb: {  	[smem:$0x3FAF] =	sst s3  }
0xc: {  	[smem:$0x3FB0] =	sst s4  }
0xd: {  	[smem:$0x3FB1] =	sst s5  }
0xe: {  	[smem:$0x3FB2] =	sst s6  }
0xf: {  	[smem:$0x3FB3] =	sst s7  }
0x10: {  	[smem:$0x3FB4] =	sst s8  }
0x11: {  	[smem:$0x3FB5] =	sst s9;
	s0 =	simm.s32 @!p0 $0x0  }
0x12: {  	s1 =	sld [smem:$0x3F9B];
	s0 =	simm.s32 @p0 $0x1  }
0x13: {  	[smem:$0x3FB6] =	sst s0;
	s0 =	simm.s32 @!p1 $0x0  }
0x14: {  	s2 =	sld [smem:$0x3F9A];
	s0 =	simm.s32 @p1 $0x1  }
0x15: {  	[smem:$0x3FB7] =	sst s0;
	s0 =	simm.s32 @!p2 $0x0  }
0x16: {  	s3 =	sld [smem:$0x3FDB];
	s0 =	simm.s32 @p2 $0x1  }
0x17: {  	s4 =	simm.s32 $0x1BF5;
	[smem:$0x3FB9] =	sst s0  }
0x18: {  	s0 =	sld [smem:$0x3F9C];
	_ =	swait.ge [sflag:s4], $0x0  }
0x19: {  	s7 =	sld [smem:$0x3F9D]  }
0x1a: {  	s8 =	sadd.s32 $0xFFFFE003, lr  }
0x1b: {  	s9 =	sadd.s32 $0xFFFFFEF7, lr;
	s5 =	simm.s32 $0xFFFFFFFF;
	p2 =	slt.u32 s8, $0xFFFFF086  }
0x1c: {  	p1 =	slt.u32 s9, $0xF7A;
	s5 =	simm.s32 @!p2 $0x0  }
0x1d: {  	s5 =	simm.s32 @p1 $0x1;
	p0 =	seq.s32 s7, s2  }
0x1e: {  	s7 =	smul.u32 @!p0 $0xF7A, s2;
	p2 =	seq.s32 @!p0 s5, $0x0  }
0x1f: {  	s9 =	smul.u32 $0xF7A, s1;
	s8 =	simm.s32 @!p0 $0x1BF5;
	p2 =	por !p2, p0  }
0x20: {  	[sflag:s8] =	ssyncset.s32 @!p0 $0xFFFFF086;
	s6 =	sadd.s32 @!p0 s3, s7;
	s7 =	simm.s32 @!p0 $0x108  }
0x21: {  	s3 =	sadd.s32 s3, s9;
	s6 =	sadd.s32 @!p0 $0x88, s6;
	s7 =	simm.s32 @p2 $0x1082  }
0x22: {  	[simem:s7], [sflag:s8] =	dma.local @!p0 [hbm:s6], $0xF7A  }
0x23: {  	s9 =	sor.u32 $0xD0000000, s2;
	s6 =	simm.s32 $0x108;
	_ =	swait.ge @!p0 [sflag:s8], $0x0  }
0x24: {  	s3 =	sadd.s32 $0x88, s3;
	s6 =	simm.s32 @!p1 $0x1082;
	[sflag:s4] =	ssyncset.s32 $0xFFFFF086  }
0x25: {  	[simem:s6], [sflag:s4] =	dma.local [hbm:s3], $0xF7A  }
0x26: {  	[smem:$0x3F9D] =	sst s1;
	(tag) =	ssettag s2;
	_ =	strace s9  }
0x27: {  	s1 =	sld [smem:$0x3FAD]  }
0x28: {  	s2 =	sld [smem:$0x3FAE]  }
0x29: {  	s4 =	sld [smem:$0x3FB0]  }
0x2a: {  	p0 =	seq.s32 s5, $0x0;
	s5 =	sld [smem:$0x3FB1]  }
0x2b: {  	s6 =	sld [smem:$0x3FB2]  }
0x2c: {  	s7 =	sld [smem:$0x3FB3]  }
0x2d: {  	s3 =	simm.s32 $0x108;
	s8 =	sld [smem:$0x3FB4]  }
0x2e: {  	s3 =	simm.s32 @!p0 $0x1082;
	s9 =	sld [smem:$0x3FB5]  }
0x2f: {  	lr =	sadd.s32 s0, s3;
	s0 =	sld [smem:$0x3FAC]  }
0x30: {  	s3 =	sld [smem:$0x3FAF]  }
0x31: {  	[smem:$0x3FB8] =	sst s10  }
0x32: {  	s10 =	sld [smem:$0x3FB6];
	_ =	sdelay $0x3  }
0x33: {  	p0 =	seq.s32 s10, $0x1;
	s10 =	sld [smem:$0x3FB8];
	_ =	sdelay $0x3  }
0x34: {  	[smem:$0x3FB8] =	sst s10  }
0x35: {  	s10 =	sld [smem:$0x3FB7];
	_ =	sdelay $0x3  }
0x36: {  	p1 =	seq.s32 s10, $0x1;
	s10 =	sld [smem:$0x3FB8];
	_ =	sdelay $0x3  }
0x37: {  	[smem:$0x3FB8] =	sst s10  }
0x38: {  	s10 =	sld [smem:$0x3FB9]  }
0x39: {  	_ = 	snop;
	(pc) =	sbr.ind lr, $3  }
0x3a: {  	_ = 	snop  }
0x3b: {  	_ = 	snop  }
0x3c: {  	p2 =	seq.s32 s10, $0x1;
	s10 =	sld [smem:$0x3FB8]  }
0x3d: {  	_ =	shalt  }
0x3e: {  	_ =	shalt  }
0x3f: {  	_ =	shalt  }
0x40: {  	_ =	shalt  }
0x41: {  	_ =	shalt  }
0x42: {  	_ =	shalt  }
0x43: {  	_ =	shalt  }
0x44: {  	_ =	shalt  }
0x45: {  	_ =	shalt  }
0x46: {  	_ =	shalt  }
0x47: {  	_ =	shalt  }
0x48: {  	_ =	shalt  }
0x49: {  	_ =	shalt  }
0x4a: {  	_ =	shalt  }
0x4b: {  	_ =	shalt  }
0x4c: {  	_ =	shalt  }
0x4d: {  	_ =	shalt  }
0x4e: {  	_ =	shalt  }
0x4f: {  	_ =	shalt  }
0x50: {  	_ =	shalt  }
0x51: {  	_ =	shalt  }
0x52: {  	_ =	shalt  }
0x53: {  	_ =	shalt  }
0x54: {  	_ =	shalt  }
0x55: {  	_ =	shalt  }
0x56: {  	_ =	shalt  }
0x57: {  	_ =	shalt  }
0x58: {  	_ =	shalt  }
0x59: {  	_ =	shalt  }
0x5a: {  	_ =	shalt  }
0x5b: {  	_ =	shalt  }
0x5c: {  	_ =	shalt  }
0x5d: {  	_ =	shalt  }
0x5e: {  	_ =	shalt  }
0x5f: {  	_ =	shalt  }
0x60: {  	_ =	shalt  }
0x61: {  	_ =	shalt  }
0x62: {  	_ =	shalt  }
0x63: {  	_ =	shalt  }
0x64: {  	_ =	shalt  }
0x65: {  	_ =	shalt  }
0x66: {  	_ =	shalt  }
0x67: {  	_ =	shalt  }
0x68: {  	_ =	shalt  }
0x69: {  	_ =	shalt  }
0x6a: {  	_ =	shalt  }
0x6b: {  	_ =	shalt  }
0x6c: {  	_ =	shalt  }
0x6d: {  	_ =	shalt  }
0x6e: {  	_ =	shalt  }
0x6f: {  	_ =	shalt  }
0x70: {  	_ =	shalt  }
0x71: {  	_ =	shalt  }
0x72: {  	_ =	shalt  }
0x73: {  	_ =	shalt  }
0x74: {  	_ =	shalt  }
0x75: {  	_ =	shalt  }
0x76: {  	_ =	shalt  }
0x77: {  	_ =	shalt  }
0x78: {  	_ =	shalt  }
0x79: {  	_ =	shalt  }
0x7a: {  	_ =	shalt  }
0x7b: {  	_ =	shalt  }
0x7c: {  	_ =	shalt  }
0x7d: {  	_ =	shalt  }
0x7e: {  	_ =	shalt  }
0x7f: {  	_ =	shalt  }
0x80: {  	_ =	shalt  }
0x81: {  	_ =	shalt  }
0x82: {  	_ =	shalt  }
0x83: {  	_ =	shalt  }
0x84: {  	_ =	shalt  }
0x85: {  	_ =	shalt  }
0x86: {  	_ =	shalt  }
0x87: {  	_ =	shalt  }
.Lfunc_end0:
.L_simem_size_0:
called_computation_lowered:
.L_overlay_start_0:
0x88: {  	s2 =	sld [smem:$0x3FD9]  }
0x89: {  	s3 =	sld [smem:$0x3FFE];
	_ =	sdelay $0x1  }
0x8a: {  	s1 =	srdreg.scid  }
0x8b: {  	s0 =	sand.u32 $0x1, s1  }
0x8c: {  	s16 =	sshll.u32 s0, $0xA;
	s2 =	sadd.s32 s3, s2  }
0x8d: {  	s2 =	sadd.s32 s2, s16  }
0x8e: {  	[smem:$0x3FC4] =	sst s2  }
0x8f: {  	_ = 	snop  }
0x90: {  	(tm) =	ssettm $0x1  }
0x91: {  	s17 =	sld [smem:$0x3FFB];
	_ =	sdelay $0x3  }
0x92: {  	_ =	strace s17  }
0x93: {  	s2 =	sld [smem:$0x3FFC];
	_ =	sdelay $0x3  }
0x94: {  	_ =	strace s2  }
0x95: {  	s2 =	sld [smem:$0x3FFD];
	_ =	sdelay $0x3  }
0x96: {  	_ =	strace s2  }
0x97: {  	_ =	strace $0x8FFFFFFF  }
0x98: {  	s18 =	sld [smem:$0x3FDB];
	_ =	sdelay $0x1  }
0x99: {  	s19 =	simm.s32 $_scs_section_size  }
0x9a: {  	s4 =	simm.s32 $_size__tile_overlayer_lowered;
	s5 =	simm.s32 $_tile_overlayer_lowered  }
0x9b: {  	s22 =	simm.s32 $0x1BFF;
	s21 =	sshll.u32 s5, $0x1;
	s2 =	sadd.s32 s19, s18  }
0x9c: {  	s6 =	simm.s32 $0x0;
	s20 =	sshll.u32 s4, $0x1;
	s4 =	sadd.s32 s21, s2  }
0x9d: {  	[timem:s6], [sflag:s22] =	dma.local [hbm:s4], s20  }
0x9e: {  	_ =	swait.ge [sflag:s22], s20  }
0x9f: {  	s3 =	ssub.s32 $0x0, s20;
	[sflag:s22] =	ssyncset.done $0x0  }
0xa0: {  	[sflag:s22] =	ssyncadd.s32 s3;
	_ =	sdelay $0x1  }
0xa1: {  	s23 =	simm.s32 $0x1B8B  }
0xa2: {  	_ =	swait.ge [sflag:s23], $0x1  }
0xa3: {  	[sflag:s23] =	ssyncset.done $0x0  }
0xa4: {  	s25 =	simm.s32 $0x1B8E;
	s24 =	sld [smem:$0x3FFE];
	[sflag:s23] =	ssyncadd.s32 $0xFFFFFFFF  }
0xa5: {  	s26 =	simm.s32 $execute0_lowered;
	[smem:$0x3FD2] =	sst s25  }
0xa6: {  	s4 =	sshll.u32 s26, $0x1;
	_ =	strace $0x80000046;
	[dreg:$0x1] =	wrdreg $0xFFFFFFFF  }
0xa7: {  	s28 =	simm.s32 $_size_execute0_lowered;
	s2 =	sadd.s32 s2, s4;
	[dreg:$0x0] =	wrdreg $0x0  }
0xa8: {  	s4 =	sshll.u32 s28, $0x1;
	[dreg:$0x2] =	wrdreg s2  }
0xa9: {  	[dreg:$0x3] =	wrdreg s4  }
0xaa: {  	[dreg:$0x4] =	wrdreg $0xC0  }
0xab: {  	_ =	task [dreg:s6], $0x5FFFF  }
0xac: {  	[dreg:$0x1] =	wrdreg $0xFFFFFFFF  }
0xad: {  	[dreg:$0x0] =	wrdreg $0x60  }
0xae: {  	[dreg:$0x2] =	wrdreg s24  }
0xaf: {  	[dreg:$0x3] =	wrdreg $0x9  }
0xb0: {  	_ =	task.clear_ibuf [dreg:s6], $0x4FFFF;
	_ =	strace $0x90000046  }
0xb1: {  	s29 =	simm.s32 $0x9;
	_ =	strace $0x80000048  }
0xb2: {  	_ =	swait.ge [sflag:s29], $0x1  }
0xb3: {  	[sflag:s29] =	ssyncadd.s32 $0xFFFFFFFF  }
0xb4: {  	_ =	strace $0x90000048  }
0xb5: {  	_ =	sfence  }
0xb6: {  	s30 =	sld [smem:$0x0];
	_ =	sdelay $0x2  }
0xb7: {  	s31 =	sshll.u32 s1, $0xD;
	s1 =	sshrl.u32 s1, $0x2  }
0xb8: {  	s3 =	sand.u32 $0x4000, s31;
	s1 =	sadd.s32 s1, s30  }
0xb9: {  	s0 =	sor.u32 s3, s0;
	s1 =	sshll.u32 s1, $0x11  }
0xba: {  	s0 =	sor.u32 s1, s0  }
0xbb: {  	s0 =	sadd.s32 $0x8F2B, s0  }
0xbc: {  	[sflag:s0] =	ssyncadd.remote.s32 $0x1  }
0xbd: {  	_ =	sfence.sel $0xFFFF  }
0xbe: {  	[dreg:$0x0] =	wrdreg $0xFFFFFFFF;
	(pc) =	sbr.abs _section_cstart, $3  }
0xbf: {  	[dreg:$0x1] =	wrdreg $0xFFFFFFFF  }
0xc0: {  	_ =	task.clear_ibuf [dreg:s6], $0x2FFFF;
	_ =	strace $0x9FFFFFFF  }
0xc1: {  	(tm) =	ssettm $0x7FFFFFFF  }
tec
execute0_lowered:
.L_overlay_start_1:
0x0: {  	(tag) =	ssettag $0x1  }
0x1: {  	s5 =	rddreg [dreg:$0x0];
	s2 =	simm.s32 $0x0  }
0x2: {  	s3 =	srdreg.scid;
	s0 =	stileid.u32;
	s11 =	simm.s32 $0x1400  }
0x3: {  	s12 =	simm.s32 $0x50;
	s14 =	simm.s32 $0xDC10;
	s15 =	simm.s32 $0x1  }
0x4: {  	s16 =	simm.s32 $0x3;
	s17 =	simm.s32 $0x8C10;
	s18 =	simm.s32 $0x12C10  }
0x5: {  	s19 =	simm.s32 $0x2;
	s20 =	simm.s32 $0x4;
	s21 =	simm.s32 $0x17C10  }
0x6: {  	s22 =	simm.s32 $0x0;
	s4 =	sand.u32 $0x1, s3;
	s31 =	sshll.u32 s0, $0x1  }
0x7: {  	[smem:$0x7FF] =	sst s2;
	s3 =	sadd.s32 $0x4E400, s5;
	s6 =	sor.u32 s4, s31  }
0x8: {  	_ =	strace $0x80000047;
	s8 =	ssub.s32 $0x2, s4;
	s7 =	smul.u32 $0x280, s6  }
0x9: {  	s4 =	sadd.s32 $0x200, s5;
	s6 =	sshll.u32 s6, $0x1;
	s9 =	sshrl.u32 s8, $0x1  }
0xa: {  	s10 =	sadd.s32 s6, s5;
	s9 =	ssub.s32 s8, s9;
	s7 =	sadd.s32 s7, s5  }
0xb: {  	s8 =	sadd.s32 $0xAB600, s10;
	s9 =	smax.u32 s9, $0x1;
	s10 =	simm.s32 $0x5  }
0xc: {  	s5 =	sadd.s32 $0xA1600, s7;
	s6 =	sadd.s32 $0x9C600, s7;
	s7 =	sadd.s32 $0xA6600, s7  }
.LBB2_1:
0xd: {  	[tilespmem:s2], [sflag:$0x5] =	stream.linear.gather [hbm4b:s5+s2], $0x1400, $0x38;
	[tilespmem:$0x17C20] =	vst v63  }
0xe: {  	_ =	swait.ge [sflag:s10], $0x1400  }
0xf: {  	[sflag:s10] =	ssyncset.done $0x0  }
0x10: {  	[sflag:s10] =	ssyncadd.s32 $0xFFFFEC00  }
0x11: {  	[tilespmem:s11], [sflag:$0x5] =	stream.linear.gather [hbm4b:s6+s2], $0x1400, $0x38;
	[tilespmem:$0x17C20] =	vst v63  }
0x12: {  	_ =	swait.ge [sflag:s10], $0x1400  }
0x13: {  	[sflag:s10] =	ssyncset.done $0x0  }
0x14: {  	s23 =	simm.s32 $0x2800;
	[sflag:s10] =	ssyncadd.s32 $0xFFFFEC00  }
0x15: {  	[tilespmem:s23], [sflag:$0x5] =	stream.linear.gather [hbm4b:s7+s2], $0x1400, $0x38;
	[tilespmem:$0x17C20] =	vst v63  }
0x16: {  	_ =	swait.ge [sflag:s10], $0x1400  }
0x17: {  	[sflag:s10] =	ssyncset.done $0x0  }
0x18: {  	s0 =	simm.s32 $0x3C10;
	[sflag:s10] =	ssyncadd.s32 $0xFFFFEC00  }
0x19: {  	[tilespmem:s0], [sflag:$0x1] =	stream.indirect.gather [hbm4b:s3+s12], $0x100, s2, s12, $0xb8;
	[tilespmem:$0x17C20] =	vst v63  }
0x1a: {  	s24 =	simm.s32 $0x2850;
	s25 =	simm.s32 $0x0  }
0x1b: {  	v0 =	vimm.f32 $0.0e+00;
	[tilespmem:s14], [sflag:$0x3] =	stream.indirect.gather [hbm4b:s4+s12], $0x100, s11, s12, $0xb8;
	[tilespmem:$0x17C20] =	vst v63  }
.LBB2_2:
0x1c: {  	_ =	swait.ge [sflag:s15], $0x5000  }
0x1d: {  	[sflag:s15] =	ssyncset.done $0x0  }
0x1e: {  	[sflag:s15] =	ssyncadd.s32 $0xFFFFB000  }
0x1f: {  	s26 =	sshllo.u32 s25, $0x1;
	_ =	swait.ge [sflag:s16], $0x5000  }
0x20: {  	s26 =	smul.u32 $0x50, s26;
	[sflag:s16] =	ssyncset.done $0x0  }
0x21: {  	[sflag:s16] =	ssyncadd.s32 $0xFFFFB000  }
0x22: {  	[tilespmem:s17], [sflag:$0x2] =	stream.indirect.gather [hbm4b:s3+s12], $0x100, s26, s12, $0xb8;
	[tilespmem:$0x17C20] =	vst v63  }
0x23: {  	s31 =	simm.s32 $0x0;
	s26 =	sadd.s32 $0x1400, s26  }
0x24: {  	[tilespmem:s18], [sflag:$0x4] =	stream.indirect.gather [hbm4b:s4+s12], $0x100, s26, s12, $0xb8;
	[tilespmem:$0x17C20] =	vst v63  }
0x25: {  	v1 =	vld [tilespmem:s31+$0x3C10]  }
0x26: {  	v2 =	vld [tilespmem:s31+$0xDC10]  }
0x27: {  	v3 =	vld [tilespmem:s31+$0x3C20]  }
0x28: {  	v4 =	vld [tilespmem:s31+$0xDC20]  }
0x29: {  	v5 =	vld [tilespmem:s31+$0x3C30]  }
0x2a: {  	v6 =	vld [tilespmem:s31+$0xDC30]  }
0x2b: {  	v7 =	vld [tilespmem:s31+$0x3C40]  }
0x2c: {  	v8 =	vld [tilespmem:s31+$0xDC40]  }
0x2d: {  	v9 =	vld [tilespmem:s31+$0x3C50]  }
0x2e: {  	v10 =	vld [tilespmem:s31+$0xDC50]  }
0x2f: {  	v11 =	vld [tilespmem:s31+$0x3C60]  }
0x30: {  	v12 =	vld [tilespmem:s31+$0xDC60]  }
0x31: {  	v13 =	vld [tilespmem:s31+$0x3C70]  }
0x32: {  	v14 =	vld [tilespmem:s31+$0xDC70]  }
0x33: {  	v15 =	vld [tilespmem:s31+$0x3C80]  }
0x34: {  	v16 =	vld [tilespmem:s31+$0xDC80]  }
0x35: {  	v17 =	vld [tilespmem:s31+$0x3C90]  }
0x36: {  	v18 =	vld [tilespmem:s31+$0xDC90]  }
0x37: {  	v19 =	vld [tilespmem:s31+$0x3CA0]  }
0x38: {  	v20 =	vld [tilespmem:s31+$0xDCA0]  }
0x39: {  	v21 =	vld [tilespmem:s31+$0x3CB0]  }
0x3a: {  	v22 =	vld [tilespmem:s31+$0xDCB0]  }
0x3b: {  	v23 =	vld [tilespmem:s31+$0x3CC0]  }
0x3c: {  	v24 =	vld [tilespmem:s31+$0xDCC0]  }
0x3d: {  	v25 =	vld [tilespmem:s31+$0x3CD0]  }
0x3e: {  	v26 =	vld [tilespmem:s31+$0xDCD0]  }
0x3f: {  	v27 =	vld [tilespmem:s31+$0x3CE0]  }
0x40: {  	v28 =	vld [tilespmem:s31+$0xDCE0]  }
0x41: {  	v29 =	vld [tilespmem:s31+$0x3CF0];
	v1 =	vmul.f32 v2, v1;
	v2 =	vmul.f32 v4, v3  }
0x42: {  	v30 =	vld [tilespmem:s31+$0xDCF0];
	v3 =	vmul.f32 v6, v5;
	v4 =	vmul.f32 v8, v7  }
0x43: {  	v31 =	vld [tilespmem:s31+$0x3D00];
	v5 =	vmul.f32 v10, v9;
	v6 =	vmul.f32 v12, v11  }
0x44: {  	v32 =	vld [tilespmem:s31+$0xDD00];
	v7 =	vmul.f32 v14, v13;
	v8 =	vmul.f32 v16, v15  }
0x45: {  	s26 =	simm.s32 $0x100;
	v33 =	vld [tilespmem:s23+$0x0];
	v9 =	vmul.f32 v18, v17;
	v10 =	vmul.f32 v20, v19  }
0x46: {  	v34 =	vld [tilespmem:s26+$0x3C10];
	v11 =	vmul.f32 v22, v21;
	v12 =	vmul.f32 v24, v23  }
0x47: {  	v35 =	vld [tilespmem:s26+$0xDC10];
	v13 =	vmul.f32 v26, v25;
	v14 =	vmul.f32 v28, v27  }
0x48: {  	v36 =	vld [tilespmem:s26+$0x3C20];
	v15 =	vmul.f32 v30, v29;
	v1 =	vadd.f32 v2, v1;
	v2 =	vadd.f32 v4, v3  }
0x49: {  	v37 =	vld [tilespmem:s26+$0xDC20];
	v3 =	vmul.f32 v32, v31;
	v4 =	vadd.f32 v6, v5;
	v5 =	vadd.f32 v8, v7  }
0x4a: {  	v63 =	vld [tilespmem:s26+$0xDC60];
	v6 =	vadd.f32 v10, v9;
	v7 =	vadd.f32 v12, v11  }
0x4b: {  	v20 =	vld [tilespmem:s26+$0x3C30];
	v8 =	vadd.f32 v14, v13;
	v3 =	vadd.f32 v3, v15  }
0x4c: {  	v21 =	vld [tilespmem:s26+$0xDC30];
	v9 =	vadd.f32 v2, v1;
	v4 =	vadd.f32 v5, v4  }
0x4d: {  	v22 =	vld [tilespmem:s26+$0x3C40];
	v5 =	vadd.f32 v7, v6;
	v3 =	vadd.f32 v3, v8  }
0x4e: {  	v23 =	vld [tilespmem:s26+$0xDC40]  }
0x4f: {  	v25 =	vld [tilespmem:s26+$0x3C50];
	v4 =	vadd.f32 v4, v9;
	v6 =	vadd.f32 v3, v5  }
0x50: {  	v26 =	vld [tilespmem:s26+$0xDC50]  }
0x51: {  	v27 =	vld [tilespmem:s26+$0x3C60];
	v7 =	vadd.f32 v6, v4  }
0x52: {  	v17 =	vld [tilespmem:s26+$0xDCE0]  }
0x53: {  	v19 =	vld [tilespmem:s26+$0x3CF0];
	(xrf2) =	vadd.scan.msk.f32 $0xffff, v7  }
0x54: {  	v10 =	vld [tilespmem:s26+$0xDCB0]  }
0x55: {  	v11 =	vld [tilespmem:s26+$0x3CC0]  }
0x56: {  	v12 =	vld [tilespmem:s26+$0xDCC0]  }
0x57: {  	v13 =	vld [tilespmem:s26+$0x3CD0]  }
0x58: {  	v14 =	vld [tilespmem:s26+$0xDCD0]  }
0x59: {  	v1 =	vld [tilespmem:s26+$0x3C70]  }
0x5a: {  	v2 =	vld [tilespmem:s26+$0xDC70]  }
0x5b: {  	v15 =	vld [tilespmem:s26+$0x3CE0]  }
0x5c: {  	v9 =	vld [tilespmem:s26+$0xDCA0]  }
0x5d: {  	v3 =	vld [tilespmem:s26+$0x3C80];
	v24, _, _ =	vpop (xrf2)  }
0x5e: {  	v5 =	vld [tilespmem:s26+$0xDC80];
	(v2sf) =	vpush v24, $0xF  }
0x5f: {  	v4 =	vld [tilespmem:s26+$0x3C90]  }
0x60: {  	v6 =	vld [tilespmem:s26+$0xDC90]  }
0x61: {  	v7 =	vld [tilespmem:s26+$0x3CA0];
	(v2sf) =	vpush v33, $0x0  }
0x62: {  	v16 =	vmul.f32 v35, v34;
	v20 =	vmul.f32 v21, v20;
	v8 =	vld [tilespmem:s26+$0x3CB0]  }
0x63: {  	v21 =	vmul.f32 v23, v22;
	v22 =	vmul.f32 v26, v25;
	v25 =	vld [tilespmem:s26+$0x3D00]  }
0x64: {  	s29 =	simm.s32 $0x800;
	s28 =	smov.u32 s23;
	v18 =	vmul.f32 v37, v36;
	v23 =	vmul.f32 v63, v27;
	v24 =	vld [tilespmem:s26+$0xDCF0]  }
.LBB2_3:
0x65: {  	p0 =	sne.s32 s29, $0x13C00;
	v1 =	vmul.f32 v2, v1;
	v2 =	vmul.f32 v5, v3;
	v3 =	vld [tilespmem:s26+$0xDD00];
	s28 =	sadd.s32 $0x1, s28  }
0x66: {  	s26 =	sshra.s32 s29, $0x2;
	v4 =	vmul.f32 v6, v4;
	v5 =	vmul.f32 v9, v7;
	v26 =	vld [tilespmem:s28+$0x0]  }
0x67: {  	v6 =	vmul.f32 v10, v8;
	v7 =	vmul.f32 v12, v11;
	v27 =	vld [tilespmem:s26+$0x3C10]  }
0x68: {  	v8 =	vmul.f32 v14, v13;
	v9 =	vmul.f32 v17, v15;
	v28 =	vld [tilespmem:s26+$0xDC10]  }
0x69: {  	v11 =	vadd.f32 v18, v16;
	v12 =	vadd.f32 v21, v20;
	v10 =	vmul.f32 v24, v19;
	v29 =	vld [tilespmem:s26+$0x3C20]  }
0x6a: {  	v13 =	vadd.f32 v23, v22;
	v1 =	vadd.f32 v2, v1;
	v18 =	vld [tilespmem:s26+$0xDC20];
	v3 =	vmul.f32 v3, v25  }
0x6b: {  	v2 =	vadd.f32 v5, v4;
	v4 =	vadd.f32 v7, v6;
	v20 =	vld [tilespmem:s26+$0x3C30]  }
0x6c: {  	v5 =	vadd.f32 v9, v8;
	v21 =	vld [tilespmem:s26+$0xDC30];
	v3 =	vadd.f32 v3, v10  }
0x6d: {  	v6 =	vadd.f32 v12, v11;
	v1 =	vadd.f32 v1, v13;
	v22 =	vld [tilespmem:s26+$0x3C40];
	s30 =	spop (v2sf)  }
0x6e: {  	v2 =	vadd.f32 v4, v2;
	v23 =	vld [tilespmem:s26+$0xDC40];
	v3 =	vadd.f32 v3, v5;
	s30 =	ssub.f32 $5.000000000e-01, s30  }
0x6f: {  	v25 =	vld [tilespmem:s26+$0x3C50]  }
0x70: {  	v1 =	vadd.f32 v1, v6;
	v30 =	vld [tilespmem:s26+$0xDC50];
	v2 =	vadd.f32 v3, v2;
	s30 =	smax.f32 s30, $0.0e+00;
	s31 =	spop (v2sf)  }
0x71: {  	v31 =	vld [tilespmem:s26+$0x3C60];
	s30 =	smul.f32 s30, s31  }
0x72: {  	v32 =	vld [tilespmem:s26+$0xDC60];
	v3 =	vadd.f32 v2, v1  }
0x73: {  	v1 =	vld [tilespmem:s26+$0x3C70];
	v0 =	vadd.f32 s30, v0  }
0x74: {  	v2 =	vld [tilespmem:s26+$0xDC70];
	(xrf2) =	vadd.scan.msk.f32 $0xffff, v3  }
0x75: {  	v3 =	vld [tilespmem:s26+$0x3C80]  }
0x76: {  	v5 =	vld [tilespmem:s26+$0xDC80]  }
0x77: {  	v4 =	vld [tilespmem:s26+$0x3C90]  }
0x78: {  	v6 =	vld [tilespmem:s26+$0xDC90]  }
0x79: {  	v7 =	vld [tilespmem:s26+$0x3CA0]  }
0x7a: {  	v9 =	vld [tilespmem:s26+$0xDCA0]  }
0x7b: {  	v8 =	vld [tilespmem:s26+$0x3CB0]  }
0x7c: {  	v10 =	vld [tilespmem:s26+$0xDCB0]  }
0x7d: {  	v11 =	vld [tilespmem:s26+$0x3CC0]  }
0x7e: {  	v12 =	vld [tilespmem:s26+$0xDCC0];
	v14, _, _ =	vpop (xrf2)  }
0x7f: {  	v13 =	vld [tilespmem:s26+$0x3CD0];
	(v2sf) =	vpush v14, $0xF  }
0x80: {  	v14 =	vld [tilespmem:s26+$0xDCD0]  }
.Ltmp0:
0x81: {  	v15 =	vld [tilespmem:s26+$0x3CE0];
	(pc) =	sbr.rel @p0 .LBB2_3-.Ltmp0, $4  }
0x82: {  	v17 =	vld [tilespmem:s26+$0xDCE0];
	(v2sf) =	vpush v26, $0x0  }
0x83: {  	v16 =	vmul.f32 v28, v27;
	v18 =	vmul.f32 v18, v29;
	v19 =	vld [tilespmem:s26+$0x3CF0]  }
0x84: {  	v20 =	vmul.f32 v21, v20;
	v21 =	vmul.f32 v23, v22;
	v24 =	vld [tilespmem:s26+$0xDCF0]  }
0x85: {  	s29 =	sadd.s32 $0x400, s29;
	v22 =	vmul.f32 v30, v25;
	v23 =	vmul.f32 v32, v31;
	v25 =	vld [tilespmem:s26+$0x3D00]  }
0x86: {  	v1 =	vmul.f32 v2, v1;
	v2 =	vmul.f32 v5, v3;
	v3 =	vld [tilespmem:s26+$0xDD00]  }
0x87: {  	v4 =	vmul.f32 v6, v4  }
0x88: {  	v5 =	vmul.f32 v9, v7;
	v6 =	vmul.f32 v10, v8  }
0x89: {  	v7 =	vmul.f32 v12, v11;
	v8 =	vmul.f32 v14, v13;
	v11 =	vadd.f32 v18, v16  }
0x8a: {  	v12 =	vadd.f32 v21, v20;
	v9 =	vmul.f32 v17, v15;
	v13 =	vadd.f32 v23, v22  }
0x8b: {  	v1 =	vadd.f32 v2, v1;
	v10 =	vmul.f32 v24, v19;
	v3 =	vmul.f32 v3, v25  }
0x8c: {  	v2 =	vadd.f32 v5, v4;
	v4 =	vadd.f32 v7, v6  }
0x8d: {  	v5 =	vadd.f32 v9, v8;
	v3 =	vadd.f32 v3, v10  }
0x8e: {  	v6 =	vadd.f32 v12, v11;
	v1 =	vadd.f32 v1, v13  }
0x8f: {  	v2 =	vadd.f32 v4, v2;
	v3 =	vadd.f32 v3, v5;
	_ =	sdelay $0x1  }
0x90: {  	v1 =	vadd.f32 v1, v6;
	v2 =	vadd.f32 v3, v2;
	_ =	sdelay $0x1  }
0x91: {  	v1 =	vadd.f32 v2, v1;
	_ =	sdelay $0x1  }
0x92: {  	(xrf2) =	vadd.scan.msk.f32 $0xffff, v1;
	_ =	sdelay $0x5  }
0x93: {  	s0 =	sadd.s32 $0x1, s28  }
0x94: {  	v1 =	vld [tilespmem:s0+$0x0];
	_ =	sdelay $0x2  }
0x95: {  	v2, _, _ =	vpop (xrf2)  }
0x96: {  	(v2sf) =	vpush v2, $0xF  }
0x97: {  	(v2sf) =	vpush v1, $0x0;
	_ =	sdelay $0xb  }
0x98: {  	s31 =	spop (v2sf)  }
0x99: {  	s29 =	spop (v2sf)  }
0x9a: {  	s30 =	spop (v2sf)  }
0x9b: {  	s28 =	spop (v2sf)  }
0x9c: {  	_ =	swait.ge [sflag:s19], $0x5000  }
0x9d: {  	[sflag:s19] =	ssyncset.done $0x0  }
0x9e: {  	p0 =	seq.s32 s25, $0x1F;
	[sflag:s19] =	ssyncadd.s32 $0xFFFFB000  }
0x9f: {  	s26 =	smul.u32 @!p0 $0xA0, s25;
	_ =	swait.ge [sflag:s20], $0x5000  }
0xa0: {  	s1 =	simm.s32 @!p0 $0x50;
	[sflag:s20] =	ssyncset.done $0x0  }
0xa1: {  	s13 =	simm.s32 @!p0 $0x3C10;
	s0 =	sadd.s32 @!p0 $0xA0, s26;
	[sflag:s20] =	ssyncadd.s32 $0xFFFFB000  }
0xa2: {  	[tilespmem:s13], [sflag:$0x1] =	stream.indirect.gather @!p0 [hbm4b:s3+s1], $0x100, s0, s1, $0xb8;
	[tilespmem:$0x17C20] =	vst v63  }
0xa3: {  	s0 =	sadd.s32 @!p0 $0x14A0, s26;
	s13 =	simm.s32 @!p0 $0xDC10  }
0xa4: {  	[tilespmem:s13], [sflag:$0x3] =	stream.indirect.gather @!p0 [hbm4b:s4+s1], $0x100, s0, s1, $0xb8;
	[tilespmem:$0x17C20] =	vst v63  }
0xa5: {  	s1 =	simm.s32 $0x0  }
0xa6: {  	v1 =	vld [tilespmem:s1+$0x8C10]  }
0xa7: {  	v2 =	vld [tilespmem:s1+$0x12C10]  }
0xa8: {  	v3 =	vld [tilespmem:s1+$0x8C20]  }
0xa9: {  	v4 =	vld [tilespmem:s1+$0x12C20]  }
0xaa: {  	v5 =	vld [tilespmem:s1+$0x8C30]  }
0xab: {  	v6 =	vld [tilespmem:s1+$0x12C30]  }
0xac: {  	v7 =	vld [tilespmem:s1+$0x8C40]  }
0xad: {  	v8 =	vld [tilespmem:s1+$0x12C40]  }
0xae: {  	v9 =	vld [tilespmem:s1+$0x8C50]  }
0xaf: {  	v10 =	vld [tilespmem:s1+$0x12C50]  }
0xb0: {  	v11 =	vld [tilespmem:s1+$0x8C60]  }
0xb1: {  	v12 =	vld [tilespmem:s1+$0x12C60]  }
0xb2: {  	v13 =	vld [tilespmem:s1+$0x8C70]  }
0xb3: {  	v14 =	vld [tilespmem:s1+$0x12C70]  }
0xb4: {  	v15 =	vld [tilespmem:s1+$0x8C80]  }
0xb5: {  	v16 =	vld [tilespmem:s1+$0x12C80]  }
0xb6: {  	v17 =	vld [tilespmem:s1+$0x8C90]  }
0xb7: {  	v18 =	vld [tilespmem:s1+$0x12C90]  }
0xb8: {  	v19 =	vld [tilespmem:s1+$0x8CA0]  }
0xb9: {  	v20 =	vld [tilespmem:s1+$0x12CA0]  }
0xba: {  	v21 =	vld [tilespmem:s1+$0x8CB0]  }
0xbb: {  	v22 =	vld [tilespmem:s1+$0x12CB0]  }
0xbc: {  	v23 =	vld [tilespmem:s1+$0x8CC0]  }
0xbd: {  	v24 =	vld [tilespmem:s1+$0x12CC0]  }
0xbe: {  	v25 =	vld [tilespmem:s1+$0x8CD0]  }
0xbf: {  	v26 =	vld [tilespmem:s1+$0x12CD0]  }
0xc0: {  	v27 =	vld [tilespmem:s1+$0x8CE0]  }
0xc1: {  	v28 =	vld [tilespmem:s1+$0x12CE0]  }
0xc2: {  	v29 =	vld [tilespmem:s1+$0x8CF0];
	v1 =	vmul.f32 v2, v1;
	v2 =	vmul.f32 v4, v3  }
0xc3: {  	v30 =	vld [tilespmem:s1+$0x12CF0];
	v3 =	vmul.f32 v6, v5;
	v4 =	vmul.f32 v8, v7  }
0xc4: {  	v31 =	vld [tilespmem:s1+$0x8D00];
	v5 =	vmul.f32 v10, v9;
	v6 =	vmul.f32 v12, v11  }
0xc5: {  	v32 =	vld [tilespmem:s1+$0x12D00];
	v7 =	vmul.f32 v14, v13;
	v8 =	vmul.f32 v16, v15  }
0xc6: {  	s26 =	simm.s32 $0x100;
	v33 =	vld [tilespmem:s24+$0x0];
	v9 =	vmul.f32 v18, v17;
	v10 =	vmul.f32 v20, v19  }
0xc7: {  	v34 =	vld [tilespmem:s26+$0x8C10];
	v11 =	vmul.f32 v22, v21;
	v12 =	vmul.f32 v24, v23  }
0xc8: {  	v35 =	vld [tilespmem:s26+$0x12C10];
	v13 =	vmul.f32 v26, v25;
	v14 =	vmul.f32 v28, v27  }
0xc9: {  	v36 =	vld [tilespmem:s26+$0x8C20];
	v15 =	vmul.f32 v30, v29;
	v1 =	vadd.f32 v2, v1;
	v2 =	vadd.f32 v4, v3  }
0xca: {  	v37 =	vld [tilespmem:s26+$0x12C20];
	v3 =	vmul.f32 v32, v31;
	v4 =	vadd.f32 v6, v5;
	v5 =	vadd.f32 v8, v7  }
0xcb: {  	v63 =	vld [tilespmem:s26+$0x12C60];
	v6 =	vadd.f32 v10, v9;
	v7 =	vadd.f32 v12, v11  }
0xcc: {  	v20 =	vld [tilespmem:s26+$0x8C30];
	v8 =	vadd.f32 v14, v13;
	v3 =	vadd.f32 v3, v15  }
0xcd: {  	v21 =	vld [tilespmem:s26+$0x12C30];
	v9 =	vadd.f32 v2, v1;
	v4 =	vadd.f32 v5, v4  }
0xce: {  	v22 =	vld [tilespmem:s26+$0x8C40];
	v5 =	vadd.f32 v7, v6;
	v3 =	vadd.f32 v3, v8  }
0xcf: {  	v23 =	vld [tilespmem:s26+$0x12C40]  }
0xd0: {  	v25 =	vld [tilespmem:s26+$0x8C50];
	v4 =	vadd.f32 v4, v9;
	v6 =	vadd.f32 v3, v5  }
0xd1: {  	v26 =	vld [tilespmem:s26+$0x12C50]  }
0xd2: {  	v27 =	vld [tilespmem:s26+$0x8C60];
	v7 =	vadd.f32 v6, v4  }
0xd3: {  	v17 =	vld [tilespmem:s26+$0x12CE0]  }
0xd4: {  	v19 =	vld [tilespmem:s26+$0x8CF0];
	(xrf2) =	vadd.scan.msk.f32 $0xffff, v7  }
0xd5: {  	v10 =	vld [tilespmem:s26+$0x12CB0]  }
0xd6: {  	v11 =	vld [tilespmem:s26+$0x8CC0]  }
0xd7: {  	v12 =	vld [tilespmem:s26+$0x12CC0]  }
0xd8: {  	v13 =	vld [tilespmem:s26+$0x8CD0]  }
0xd9: {  	v14 =	vld [tilespmem:s26+$0x12CD0]  }
0xda: {  	v1 =	vld [tilespmem:s26+$0x8C70]  }
0xdb: {  	v2 =	vld [tilespmem:s26+$0x12C70]  }
0xdc: {  	v15 =	vld [tilespmem:s26+$0x8CE0]  }
0xdd: {  	v9 =	vld [tilespmem:s26+$0x12CA0]  }
0xde: {  	s13 =	ssub.f32 $5.000000000e-01, s31;
	v3 =	vld [tilespmem:s26+$0x8C80];
	v24, _, _ =	vpop (xrf2)  }
0xdf: {  	v5 =	vld [tilespmem:s26+$0x12C80];
	(v2sf) =	vpush v24, $0xF  }
0xe0: {  	s30 =	ssub.f32 $5.000000000e-01, s30;
	s0 =	smax.f32 s13, $0.0e+00;
	v4 =	vld [tilespmem:s26+$0x8C90]  }
0xe1: {  	s0 =	smul.f32 s0, s29;
	v6 =	vld [tilespmem:s26+$0x12C90]  }
0xe2: {  	s1 =	smax.f32 s30, $0.0e+00;
	v7 =	vld [tilespmem:s26+$0x8CA0];
	(v2sf) =	vpush v33, $0x0  }
0xe3: {  	s31 =	smul.f32 s1, s28;
	v0 =	vadd.f32 s0, v0;
	v16 =	vmul.f32 v35, v34;
	v20 =	vmul.f32 v21, v20;
	v8 =	vld [tilespmem:s26+$0x8CB0]  }
0xe4: {  	v21 =	vmul.f32 v23, v22;
	v22 =	vmul.f32 v26, v25;
	v25 =	vld [tilespmem:s26+$0x8D00]  }
0xe5: {  	s28 =	smov.u32 s24;
	s29 =	simm.s32 $0x800;
	v18 =	vmul.f32 v37, v36;
	v0 =	vadd.f32 s31, v0;
	v23 =	vmul.f32 v63, v27;
	v24 =	vld [tilespmem:s26+$0x12CF0]  }
.LBB2_5:
0xe6: {  	p0 =	sne.s32 s29, $0x13C00;
	v1 =	vmul.f32 v2, v1;
	v2 =	vmul.f32 v5, v3;
	v3 =	vld [tilespmem:s26+$0x12D00];
	s28 =	sadd.s32 $0x1, s28  }
0xe7: {  	s26 =	sshra.s32 s29, $0x2;
	v4 =	vmul.f32 v6, v4;
	v5 =	vmul.f32 v9, v7;
	v26 =	vld [tilespmem:s28+$0x0]  }
0xe8: {  	v6 =	vmul.f32 v10, v8;
	v7 =	vmul.f32 v12, v11;
	v27 =	vld [tilespmem:s26+$0x8C10]  }
0xe9: {  	v8 =	vmul.f32 v14, v13;
	v9 =	vmul.f32 v17, v15;
	v28 =	vld [tilespmem:s26+$0x12C10]  }
0xea: {  	v11 =	vadd.f32 v18, v16;
	v12 =	vadd.f32 v21, v20;
	v10 =	vmul.f32 v24, v19;
	v29 =	vld [tilespmem:s26+$0x8C20]  }
0xeb: {  	v13 =	vadd.f32 v23, v22;
	v1 =	vadd.f32 v2, v1;
	v18 =	vld [tilespmem:s26+$0x12C20];
	v3 =	vmul.f32 v3, v25  }
0xec: {  	v2 =	vadd.f32 v5, v4;
	v4 =	vadd.f32 v7, v6;
	v20 =	vld [tilespmem:s26+$0x8C30]  }
0xed: {  	v5 =	vadd.f32 v9, v8;
	v21 =	vld [tilespmem:s26+$0x12C30];
	v3 =	vadd.f32 v3, v10  }
0xee: {  	v6 =	vadd.f32 v12, v11;
	v1 =	vadd.f32 v1, v13;
	v22 =	vld [tilespmem:s26+$0x8C40];
	s0 =	spop (v2sf)  }
0xef: {  	v2 =	vadd.f32 v4, v2;
	v23 =	vld [tilespmem:s26+$0x12C40];
	v3 =	vadd.f32 v3, v5;
	s0 =	ssub.f32 $5.000000000e-01, s0  }
0xf0: {  	v25 =	vld [tilespmem:s26+$0x8C50]  }
0xf1: {  	v1 =	vadd.f32 v1, v6;
	v30 =	vld [tilespmem:s26+$0x12C50];
	v2 =	vadd.f32 v3, v2;
	s0 =	smax.f32 s0, $0.0e+00;
	s1 =	spop (v2sf)  }
0xf2: {  	v31 =	vld [tilespmem:s26+$0x8C60];
	s0 =	smul.f32 s0, s1  }
0xf3: {  	v32 =	vld [tilespmem:s26+$0x12C60];
	v3 =	vadd.f32 v2, v1  }
0xf4: {  	v1 =	vld [tilespmem:s26+$0x8C70];
	v0 =	vadd.f32 s0, v0  }
0xf5: {  	v2 =	vld [tilespmem:s26+$0x12C70];
	(xrf2) =	vadd.scan.msk.f32 $0xffff, v3  }
0xf6: {  	v3 =	vld [tilespmem:s26+$0x8C80]  }
0xf7: {  	v5 =	vld [tilespmem:s26+$0x12C80]  }
0xf8: {  	v4 =	vld [tilespmem:s26+$0x8C90]  }
0xf9: {  	v6 =	vld [tilespmem:s26+$0x12C90]  }
0xfa: {  	v7 =	vld [tilespmem:s26+$0x8CA0]  }
0xfb: {  	v9 =	vld [tilespmem:s26+$0x12CA0]  }
0xfc: {  	v8 =	vld [tilespmem:s26+$0x8CB0]  }
0xfd: {  	v10 =	vld [tilespmem:s26+$0x12CB0]  }
0xfe: {  	v11 =	vld [tilespmem:s26+$0x8CC0]  }
0xff: {  	v12 =	vld [tilespmem:s26+$0x12CC0];
	v14, _, _ =	vpop (xrf2)  }
0x100: {  	v13 =	vld [tilespmem:s26+$0x8CD0];
	(v2sf) =	vpush v14, $0xF  }
0x101: {  	v14 =	vld [tilespmem:s26+$0x12CD0]  }
.Ltmp1:
0x102: {  	v15 =	vld [tilespmem:s26+$0x8CE0];
	(pc) =	sbr.rel @p0 .LBB2_5-.Ltmp1, $4  }
0x103: {  	v17 =	vld [tilespmem:s26+$0x12CE0];
	(v2sf) =	vpush v26, $0x0  }
0x104: {  	v16 =	vmul.f32 v28, v27;
	v18 =	vmul.f32 v18, v29;
	v19 =	vld [tilespmem:s26+$0x8CF0]  }
0x105: {  	v20 =	vmul.f32 v21, v20;
	v21 =	vmul.f32 v23, v22;
	v24 =	vld [tilespmem:s26+$0x12CF0]  }
0x106: {  	s29 =	sadd.s32 $0x400, s29;
	v22 =	vmul.f32 v30, v25;
	v23 =	vmul.f32 v32, v31;
	v25 =	vld [tilespmem:s26+$0x8D00]  }
0x107: {  	v1 =	vmul.f32 v2, v1;
	v2 =	vmul.f32 v5, v3;
	v3 =	vld [tilespmem:s26+$0x12D00]  }
0x108: {  	v4 =	vmul.f32 v6, v4  }
0x109: {  	v52 =	vmul.f32 v9, v7;
	v53 =	vmul.f32 v10, v8  }
0x10a: {  	v54 =	vmul.f32 v12, v11;
	v55 =	vmul.f32 v14, v13;
	v58 =	vadd.f32 v18, v16  }
0x10b: {  	v59 =	vadd.f32 v21, v20;
	v56 =	vmul.f32 v17, v15;
	v60 =	vadd.f32 v23, v22  }
0x10c: {  	v1 =	vadd.f32 v2, v1;
	v57 =	vmul.f32 v24, v19;
	v3 =	vmul.f32 v3, v25  }
0x10d: {  	v2 =	vadd.f32 v52, v4;
	v61 =	vadd.f32 v54, v53  }
0x10e: {  	v62 =	vadd.f32 v56, v55;
	v3 =	vadd.f32 v3, v57  }
0x10f: {  	v63 =	vadd.f32 v59, v58;
	v1 =	vadd.f32 v1, v60  }
0x110: {  	v2 =	vadd.f32 v61, v2;
	v3 =	vadd.f32 v3, v62;
	_ =	sdelay $0x1  }
0x111: {  	v1 =	vadd.f32 v1, v63;
	v2 =	vadd.f32 v3, v2;
	_ =	sdelay $0x1  }
0x112: {  	v1 =	vadd.f32 v2, v1;
	_ =	sdelay $0x1  }
0x113: {  	(xrf2) =	vadd.scan.msk.f32 $0xffff, v1;
	_ =	sdelay $0x7  }
0x114: {  	s0 =	sadd.s32 $0x1, s28  }
0x115: {  	v1 =	vld [tilespmem:s0+$0x0]  }
0x116: {  	v2, _, _ =	vpop (xrf2)  }
0x117: {  	(v2sf) =	vpush v2, $0xF;
	_ =	sdelay $0x2  }
0x118: {  	(v2sf) =	vpush v1, $0x0;
	_ =	sdelay $0x8  }
0x119: {  	s28 =	spop (v2sf)  }
0x11a: {  	s0 =	ssub.f32 $5.000000000e-01, s28  }
0x11b: {  	s1 =	spop (v2sf)  }
0x11c: {  	s25 =	sadd.s32 $0x1, s25;
	s0 =	smax.f32 s0, $0.0e+00;
	s13 =	spop (v2sf)  }
0x11d: {  	p0 =	sne.s32 s25, $0x20;
	s0 =	smul.f32 s0, s1;
	s13 =	ssub.f32 $5.000000000e-01, s13  }
.Ltmp2:
0x11e: {  	_ = 	snop;
	(pc) =	sbr.rel @p0 .LBB2_2-.Ltmp2, $3  }
0x11f: {  	s30 =	spop (v2sf);
	s29 =	smax.f32 s13, $0.0e+00  }
0x120: {  	v0 =	vadd.f32 s0, v0;
	s31 =	smul.f32 s29, s30;
	_ =	sdelay $0x1  }
0x121: {  	s23 =	sadd.s32 $0xA0, s23;
	s24 =	sadd.s32 $0xA0, s24;
	v0 =	vadd.f32 s31, v0  }
0x122: {  	s22 =	sadd.s32 $0x1, s22  }
0x123: {  	p0 =	sne.s32 s22, s9  }
.Ltmp3:
0x124: {  	[tilespmem:$0x17C10] =	vst v0;
	(pc) =	sbr.rel @p0 .LBB2_1-.Ltmp3, $4  }
0x125: {  	[hbm4b:s8+s2] =	stream.linear.scatter [tilespmem:s21], [sflag:$0x5], $0x10, $0x38;
	[tilespmem:$0x17C20] =	vst v63  }
0x126: {  	_ =	swait.ge [sflag:s10], $0x10  }
0x127: {  	[sflag:s10] =	ssyncset.done $0x0  }
0x128: {  	[sflag:s10] =	ssyncadd.s32 $0xFFFFFFF0  }
0x129: {  	_ =	sfence.sel $0x180000  }
0x12a: {  	[bflag:$0x0] =	sbarrier.arrive $0xFFFF  }
0x12b: {  	_ =	strace $0x90000047  }
0x12c: {  	s0 =	stileid.u32;
	[bflag:$0x2] =	sbarrier.arrive $0xFFFF  }
0x12d: {  	p0 =	sne.s32 s0, $0x0;
	s0 =	rddreg [dreg:$0x1]  }
0x12e: {  	s0 =	sadd.s32 @!p0 $0x100000, s0  }
0x12f: {  	[sflag:s0] =	ssyncadd.tile.s32 @!p0 $0x1;
	_ =	shalt  }
.Lfunc_end2:
_tile_overlayer_lowered:
.L_overlay_start_2:
0x130: {  	(tag) =	ssettag $0x2  }
0x131: {  	s0 =	rddreg [dreg:$0x0];
	s2 =	stileid.u32  }
0x132: {  	s1 =	rddreg [dreg:$0x1];
	p0 =	sne.s32 s2, $0x0  }
0x133: {  	s3 =	rddreg [dreg:$0x2];
	[bflag:$0x3] =	sbarrier.arrive $0xFFFF;
	s2 =	simm.s32 @!p0 $0x1C05  }
0x134: {  	[timem:s3], [sflag:s2] =	dma.local @!p0 [hbm:s0], s1  }
0x135: {  	s0 =	simm.s32 @!p0 $0x5  }
0x136: {  	_ =	swait.ge @!p0 [sflag:s0], s1  }
0x137: {  	s1 =	ssub.s32 @!p0 $0x0, s1;
	[sflag:s0] =	ssyncset.done @!p0 $0x0  }
0x138: {  	[sflag:s0] =	ssyncadd.s32 @!p0 s1  }
0x139: {  	[bflag:$0x3] =	sbarrier.arrive $0xFFFF  }
0x13a: {  	_ =	shalt  }

</sc_bundles>
